<compile_context>
chip_gen: v7x
topology: tpu7x:2x2x1
jax: 0.10.2.dev20260603
libtpu: 0.0.44.dev20260713+nightly
codegen_flags: <defaults>
</compile_context>

<pallas_src>
import functools

import jax
import jax.numpy as jnp
from jax import lax
from jax.experimental import pallas as pl
from jax.experimental.pallas import tpu as pltpu
from jax.experimental.pallas import tpu_sc as plsc

H = 1024
TOK = 4 * 8192
NC, NS, L = 2, 16, 16
NW = NC * NS
TPW = TOK // NW
C = 8
NCHUNK = TPW // C

_mesh = plsc.VectorSubcoreMesh(core_axis_name="c", subcore_axis_name="s")


@functools.partial(
    pl.kernel,
    out_type=jax.ShapeDtypeStruct((TOK, H), jnp.float32),
    mesh=_mesh,
    scratch_types=[
        pltpu.VMEM((TPW,), jnp.int32),
        pltpu.VMEM((TPW,), jnp.int32),
        pltpu.VMEM((TPW,), jnp.int32),
        pltpu.VMEM((4, C, H), jnp.float32),
        pltpu.VMEM_SHARED((NS, 2, C, H), jnp.float32),
        pltpu.VMEM((2, C, H), jnp.float32),
        pltpu.VMEM((2, C, H), jnp.float32),
        pltpu.VMEM((2, C, H), jnp.float32),
        pltpu.SemaphoreType.DMA,
        pltpu.SemaphoreType.DMA,
        pltpu.SemaphoreType.DMA,
        pltpu.SemaphoreType.DMA,
        pltpu.SemaphoreType.DMA,
        pltpu.SemaphoreType.DMA,
        pltpu.SemaphoreType.DMA,
        pltpu.SemaphoreType.DMA,
        pltpu.SemaphoreType.DMA,
    ],
)
def _emb_kernel(x_hbm, px_hbm, py_hbm, pt_hbm, wx_hbm, wy_hbm, wt_hbm,
                out_hbm, ix, iy, it, xb, xs, wxb, wyb, wtb,
                sin0, sin1, sx0, sx1, scb, sout0, sout1, sout2, sout3):
    sid = lax.axis_index("s")
    wid = sid * NC + lax.axis_index("c")
    base = wid * TPW

    pltpu.sync_copy(px_hbm.at[pl.ds(base, TPW)], ix)
    pltpu.sync_copy(py_hbm.at[pl.ds(base, TPW)], iy)
    pltpu.sync_copy(pt_hbm.at[pl.ds(base, TPW)], it)

    sems_in = (sin0, sin1)
    sems_x = (sx0, sx1)
    sems_out = (sout0, sout1, sout2, sout3)

    def issue_in(c, k4, k2):
        tok = base + c * C
        off = c * C
        sem = sems_in[k2]
        pltpu.async_copy(x_hbm.at[pl.ds(tok, C)], xs.at[sid, k2],
                         sems_x[k2])
        pltpu.async_copy(wx_hbm.at[ix.at[pl.ds(off, C)]], wxb.at[k2], sem)
        pltpu.async_copy(wy_hbm.at[iy.at[pl.ds(off, C)]], wyb.at[k2], sem)
        pltpu.async_copy(wt_hbm.at[it.at[pl.ds(off, C)]], wtb.at[k2], sem)

    def start_crossbar(k4, k2):
        pltpu.make_async_copy(x_hbm.at[pl.ds(0, C)], xs.at[sid, k2],
                              sems_x[k2]).wait()
        pltpu.async_copy(xs.at[sid, k2], xb.at[k4], scb)

    def wait_in(k4, k2):
        sem = sems_in[k2]
        pltpu.make_async_copy(x_hbm.at[pl.ds(0, C)], wxb.at[k2], sem).wait()
        pltpu.make_async_copy(x_hbm.at[pl.ds(0, C)], wyb.at[k2], sem).wait()
        pltpu.make_async_copy(x_hbm.at[pl.ds(0, C)], wtb.at[k2], sem).wait()
        pltpu.make_async_copy(xs.at[sid, k2], xb.at[k4], scb).wait()

    def issue_out(c, k4):
        tok = base + c * C
        pltpu.async_copy(xb.at[k4], out_hbm.at[pl.ds(tok, C)], sems_out[k4])

    def wait_out(k4):
        pltpu.make_async_copy(xb.at[0], out_hbm.at[pl.ds(0, C)],
                              sems_out[k4]).wait()

    def compute(k4, k2):
        @plsc.parallel_loop(0, C * (H // L), 1, unroll=8)
        def _(g):
            t = g >> 6
            s = pl.ds((g & (H // L - 1)) * L, L)
            v = (wxb[k2, t, s] + wyb[k2, t, s]) + wtb[k2, t, s]
            plsc.addupdate(xb.at[k4, t, s], v)

    issue_in(jnp.int32(0), 0, 0)

    def quad_body(i, _):
        for k in range(4):
            c = 4 * i + k
            k4, k2 = k, k % 2
            if k == 3:
                wait_out((k4 + 1) % 4)
            else:
                @pl.when(i >= 1)
                def _():
                    wait_out((k4 + 1) % 4)
            if k == 3:
                @pl.when(i < NCHUNK // 4 - 1)
                def _():
                    issue_in(c + 1, 0, 0)
            else:
                issue_in(c + 1, k4 + 1, (k2 + 1) % 2)
            start_crossbar(k4, k2)
            wait_in(k4, k2)
            compute(k4, k2)
            issue_out(c, k4)
        return 0

    lax.fori_loop(0, NCHUNK // 4, quad_body, 0)

    wait_out(125 % 4)
    wait_out(126 % 4)
    wait_out(127 % 4)


def kernel(x, position_ids, Wx, Wy, Wt):
    B, S, Hh = x.shape
    x2 = x.reshape(B * S, Hh)
    pid = position_ids.astype(jnp.int32).reshape(B * S, 3)
    out = _emb_kernel(x2, pid[:, 0], pid[:, 1], pid[:, 2], Wx, Wy, Wt)
    return out.reshape(B, S, Hh)

# --- scband reference (transcript-rebuilt; emitter-appended) ---
"""Pipeline reference for scband-positional-embeddings-72576357368154 (READ-ONLY COPY).

The authoritative reference and input builder live on the scoring server;
editing this copy changes nothing except your own understanding.
"""

import jax, jax.numpy as jnp
import numpy as np

HIDDEN = 1024
MAX_POS = 8192
B, S = 4, 8192

def setup_inputs(seed: int = 0) -> dict:
    key = jax.random.key(seed)
    kx, kp, kwx, kwy, kwt = jax.random.split(key, 5)
    x = jax.random.normal(kx, (B, S, HIDDEN), dtype=jnp.float32)
    position_ids = jax.random.randint(kp, (B, S, 3), 0, MAX_POS, dtype=jnp.int64 if jax.config.jax_enable_x64 else jnp.int32)
    # nn.Embedding default init: N(0, 1)
    Wx = jax.random.normal(kwx, (MAX_POS, HIDDEN), dtype=jnp.float32)
    Wy = jax.random.normal(kwy, (MAX_POS, HIDDEN), dtype=jnp.float32)
    Wt = jax.random.normal(kwt, (MAX_POS, HIDDEN), dtype=jnp.float32)
    return {"x": x, "position_ids": position_ids, "Wx": Wx, "Wy": Wy, "Wt": Wt}

def reference(x, position_ids, Wx, Wy, Wt):
    x_emb = jnp.take(Wx, position_ids[..., 0], axis=0)
    y_emb = jnp.take(Wy, position_ids[..., 1], axis=0)
    t_emb = jnp.take(Wt, position_ids[..., 2], axis=0)
    return x + (x_emb + y_emb + t_emb)

if __name__ == "__main__":
    import jax
    _d = setup_inputs()
    print(jax.jit(kernel)(*tuple(_d.values())))

</pallas_src>

<mosaic_0001>
#map = affine_map<(d0, d1) -> (0, 0)>
#map1 = affine_map<(d0, d1) -> (0)>
module attributes {stable_mosaic.version = 14 : i64} {
  func.func @_emb_kernel(%arg0: i32, %arg1: i32, %arg2: memref<32768x1024xf32, #tpu.memory_space<hbm>>, %arg3: memref<32768xi32, #tpu.memory_space<hbm>>, %arg4: memref<32768xi32, #tpu.memory_space<hbm>>, %arg5: memref<32768xi32, #tpu.memory_space<hbm>>, %arg6: memref<8192x1024xf32, #tpu.memory_space<hbm>>, %arg7: memref<8192x1024xf32, #tpu.memory_space<hbm>>, %arg8: memref<8192x1024xf32, #tpu.memory_space<hbm>>, %arg9: memref<32768x1024xf32, #tpu.memory_space<hbm>>, %arg10: memref<1024xi32, #tpu.memory_space<vmem>>, %arg11: memref<1024xi32, #tpu.memory_space<vmem>>, %arg12: memref<1024xi32, #tpu.memory_space<vmem>>, %arg13: memref<4x8x1024xf32, #tpu.memory_space<vmem>>, %arg14: memref<16x2x8x1024xf32, #tpu.memory_space<vmem_shared>>, %arg15: memref<2x8x1024xf32, #tpu.memory_space<vmem>>, %arg16: memref<2x8x1024xf32, #tpu.memory_space<vmem>>, %arg17: memref<2x8x1024xf32, #tpu.memory_space<vmem>>, %arg18: memref<!tpu.dma_semaphore, #tpu.memory_space<semaphore_mem>>, %arg19: memref<!tpu.dma_semaphore, #tpu.memory_space<semaphore_mem>>, %arg20: memref<!tpu.dma_semaphore, #tpu.memory_space<semaphore_mem>>, %arg21: memref<!tpu.dma_semaphore, #tpu.memory_space<semaphore_mem>>, %arg22: memref<!tpu.dma_semaphore, #tpu.memory_space<semaphore_mem>>, %arg23: memref<!tpu.dma_semaphore, #tpu.memory_space<semaphore_mem>>, %arg24: memref<!tpu.dma_semaphore, #tpu.memory_space<semaphore_mem>>, %arg25: memref<!tpu.dma_semaphore, #tpu.memory_space<semaphore_mem>>, %arg26: memref<!tpu.dma_semaphore, #tpu.memory_space<semaphore_mem>>) attributes {dimension_semantics = [#tpu.dimension_semantics<core_parallel>, #tpu.dimension_semantics<subcore_parallel>], iteration_bounds = array<i64: 2, 16>, scalar_prefetch = 0 : i64, scratch_operands = 17 : i64, tpu.core_type = #tpu.core_type<sc_vector_subcore>, window_params = [{transform_indices = #map}, {transform_indices = #map1}, {transform_indices = #map1}, {transform_indices = #map1}, {transform_indices = #map}, {transform_indices = #map}, {transform_indices = #map}, {transform_indices = #map}]} {
    %mul3A = arith.constant 2 : i32
    %mul3A_0 = arith.muli %arg1, %mul3A : i32
    %add3A = arith.addi %mul3A_0, %arg0 : i32
    %mul3A_1 = arith.constant 1024 : i32
    %mul3A_2 = arith.muli %add3A, %mul3A_1 : i32
    "tpu.region"() ({
      %run_scoped3A = tpu.sem_alloc : memref<!tpu.dma_semaphore, #tpu.memory_space<semaphore_mem>>
      %dma_start3A_93 = tpu.memref_slice %arg3[%mul3A_2] : memref<32768xi32, #tpu.memory_space<hbm>> -> memref<1024xi32, #tpu.memory_space<hbm>>
      %dma_start3A_94 = tpu.memref_slice %arg3[%mul3A_2] : memref<32768xi32, #tpu.memory_space<hbm>> -> memref<1024xi32, #tpu.memory_space<hbm>>
      tpu.enqueue_dma source(%dma_start3A_94 : memref<1024xi32, #tpu.memory_space<hbm>>) target(%arg10 : memref<1024xi32, #tpu.memory_space<vmem>>) target_semaphore(%run_scoped3A : memref<!tpu.dma_semaphore, #tpu.memory_space<semaphore_mem>>)
      %dma_wait3A_95 = tpu.memref_slice %arg3[%mul3A_2] : memref<32768xi32, #tpu.memory_space<hbm>> -> memref<1024xi32, #tpu.memory_space<hbm>>
      %dma_wait3A_96 = tpu.memref_slice %arg3[%mul3A_2] : memref<32768xi32, #tpu.memory_space<hbm>> -> memref<1024xi32, #tpu.memory_space<hbm>>
      tpu.wait_dma2 semaphore(%run_scoped3A : memref<!tpu.dma_semaphore, #tpu.memory_space<semaphore_mem>>) src(%dma_wait3A_96 : memref<1024xi32, #tpu.memory_space<hbm>>) dst(%arg10 : memref<1024xi32, #tpu.memory_space<vmem>>)
      tpu.yield
    }) : () -> ()
    "tpu.region"() ({
      %run_scoped3A = tpu.sem_alloc : memref<!tpu.dma_semaphore, #tpu.memory_space<semaphore_mem>>
      %dma_start3A_93 = tpu.memref_slice %arg4[%mul3A_2] : memref<32768xi32, #tpu.memory_space<hbm>> -> memref<1024xi32, #tpu.memory_space<hbm>>
      %dma_start3A_94 = tpu.memref_slice %arg4[%mul3A_2] : memref<32768xi32, #tpu.memory_space<hbm>> -> memref<1024xi32, #tpu.memory_space<hbm>>
      tpu.enqueue_dma source(%dma_start3A_94 : memref<1024xi32, #tpu.memory_space<hbm>>) target(%arg11 : memref<1024xi32, #tpu.memory_space<vmem>>) target_semaphore(%run_scoped3A : memref<!tpu.dma_semaphore, #tpu.memory_space<semaphore_mem>>)
      %dma_wait3A_95 = tpu.memref_slice %arg4[%mul3A_2] : memref<32768xi32, #tpu.memory_space<hbm>> -> memref<1024xi32, #tpu.memory_space<hbm>>
      %dma_wait3A_96 = tpu.memref_slice %arg4[%mul3A_2] : memref<32768xi32, #tpu.memory_space<hbm>> -> memref<1024xi32, #tpu.memory_space<hbm>>
      tpu.wait_dma2 semaphore(%run_scoped3A : memref<!tpu.dma_semaphore, #tpu.memory_space<semaphore_mem>>) src(%dma_wait3A_96 : memref<1024xi32, #tpu.memory_space<hbm>>) dst(%arg11 : memref<1024xi32, #tpu.memory_space<vmem>>)
      tpu.yield
    }) : () -> ()
    "tpu.region"() ({
      %run_scoped3A = tpu.sem_alloc : memref<!tpu.dma_semaphore, #tpu.memory_space<semaphore_mem>>
      %dma_start3A_93 = tpu.memref_slice %arg5[%mul3A_2] : memref<32768xi32, #tpu.memory_space<hbm>> -> memref<1024xi32, #tpu.memory_space<hbm>>
      %dma_start3A_94 = tpu.memref_slice %arg5[%mul3A_2] : memref<32768xi32, #tpu.memory_space<hbm>> -> memref<1024xi32, #tpu.memory_space<hbm>>
      tpu.enqueue_dma source(%dma_start3A_94 : memref<1024xi32, #tpu.memory_space<hbm>>) target(%arg12 : memref<1024xi32, #tpu.memory_space<vmem>>) target_semaphore(%run_scoped3A : memref<!tpu.dma_semaphore, #tpu.memory_space<semaphore_mem>>)
      %dma_wait3A_95 = tpu.memref_slice %arg5[%mul3A_2] : memref<32768xi32, #tpu.memory_space<hbm>> -> memref<1024xi32, #tpu.memory_space<hbm>>
      %dma_wait3A_96 = tpu.memref_slice %arg5[%mul3A_2] : memref<32768xi32, #tpu.memory_space<hbm>> -> memref<1024xi32, #tpu.memory_space<hbm>>
      tpu.wait_dma2 semaphore(%run_scoped3A : memref<!tpu.dma_semaphore, #tpu.memory_space<semaphore_mem>>) src(%dma_wait3A_96 : memref<1024xi32, #tpu.memory_space<hbm>>) dst(%arg12 : memref<1024xi32, #tpu.memory_space<vmem>>)
      tpu.yield
    }) : () -> ()
    %mul3A_3 = arith.constant 0 : i32
    %mul3A_4 = arith.constant 8 : i32
    %mul3A_5 = arith.muli %mul3A_3, %mul3A_4 : i32
    %add3A_6 = arith.addi %mul3A_2, %mul3A_5 : i32
    %mul3A_7 = arith.constant 0 : i32
    %mul3A_8 = arith.constant 8 : i32
    %mul3A_9 = arith.muli %mul3A_7, %mul3A_8 : i32
    %dma_start3A = arith.constant 0 : i32
    %dma_start3A_10 = arith.constant 0 : i32
    %dma_start3A_11 = arith.constant 0 : i32
    %dma_start3A_12 = tpu.memref_slice %arg14[%arg1, %dma_start3A, %dma_start3A_10, %dma_start3A_11] : memref<16x2x8x1024xf32, #tpu.memory_space<vmem_shared>> -> memref<1x1x8x1024xf32, #tpu.memory_space<vmem_shared>>
    %dma_start3A_13 = tpu.memref_squeeze %dma_start3A_12 : memref<1x1x8x1024xf32, #tpu.memory_space<vmem_shared>> -> memref<8x1024xf32, #tpu.memory_space<vmem_shared>>
    %dma_start3A_14 = arith.constant 0 : i32
    %dma_start3A_15 = tpu.memref_slice %arg2[%add3A_6, %dma_start3A_14] : memref<32768x1024xf32, #tpu.memory_space<hbm>> -> memref<8x1024xf32, #tpu.memory_space<hbm>>
    tpu.enqueue_dma source(%dma_start3A_15 : memref<8x1024xf32, #tpu.memory_space<hbm>>) target(%dma_start3A_13 : memref<8x1024xf32, #tpu.memory_space<vmem_shared>>) target_semaphore(%arg20 : memref<!tpu.dma_semaphore, #tpu.memory_space<semaphore_mem>>)
    %dma_start3A_16 = arith.constant 0 : i32
    %dma_start3A_17 = arith.constant 0 : i32
    %dma_start3A_18 = arith.constant 0 : i32
    %dma_start3A_19 = tpu.memref_slice %arg15[%dma_start3A_16, %dma_start3A_17, %dma_start3A_18] : memref<2x8x1024xf32, #tpu.memory_space<vmem>> -> memref<1x8x1024xf32, #tpu.memory_space<vmem>>
    %dma_start3A_20 = tpu.memref_squeeze %dma_start3A_19 : memref<1x8x1024xf32, #tpu.memory_space<vmem>> -> memref<8x1024xf32, #tpu.memory_space<vmem>>
    %dma_start3A_21 = tpu.memref_slice %arg10[%mul3A_9] : memref<1024xi32, #tpu.memory_space<vmem>> -> memref<8xi32, #tpu.memory_space<vmem>>
    %dma_start3A_22 = arith.constant 0 : i32
    %dma_start3A_23 = arith.constant 0 : i32
    %dma_start3A_24 = tpu.memref_slice %arg6[%dma_start3A_22, %dma_start3A_23] : memref<8192x1024xf32, #tpu.memory_space<hbm>> -> memref<8192x1024xf32, #tpu.memory_space<hbm>>
    tpu.enqueue_indirect_dma source(%dma_start3A_24 : memref<8192x1024xf32, #tpu.memory_space<hbm>>) target(%dma_start3A_20 : memref<8x1024xf32, #tpu.memory_space<vmem>>) offsets(%dma_start3A_21 : memref<8xi32, #tpu.memory_space<vmem>>) semaphore(%arg18 : memref<!tpu.dma_semaphore, #tpu.memory_space<semaphore_mem>>)
    %dma_start3A_25 = arith.constant 0 : i32
    %dma_start3A_26 = arith.constant 0 : i32
    %dma_start3A_27 = arith.constant 0 : i32
    %dma_start3A_28 = tpu.memref_slice %arg16[%dma_start3A_25, %dma_start3A_26, %dma_start3A_27] : memref<2x8x1024xf32, #tpu.memory_space<vmem>> -> memref<1x8x1024xf32, #tpu.memory_space<vmem>>
    %dma_start3A_29 = tpu.memref_squeeze %dma_start3A_28 : memref<1x8x1024xf32, #tpu.memory_space<vmem>> -> memref<8x1024xf32, #tpu.memory_space<vmem>>
    %dma_start3A_30 = tpu.memref_slice %arg11[%mul3A_9] : memref<1024xi32, #tpu.memory_space<vmem>> -> memref<8xi32, #tpu.memory_space<vmem>>
    %dma_start3A_31 = arith.constant 0 : i32
    %dma_start3A_32 = arith.constant 0 : i32
    %dma_start3A_33 = tpu.memref_slice %arg7[%dma_start3A_31, %dma_start3A_32] : memref<8192x1024xf32, #tpu.memory_space<hbm>> -> memref<8192x1024xf32, #tpu.memory_space<hbm>>
    tpu.enqueue_indirect_dma source(%dma_start3A_33 : memref<8192x1024xf32, #tpu.memory_space<hbm>>) target(%dma_start3A_29 : memref<8x1024xf32, #tpu.memory_space<vmem>>) offsets(%dma_start3A_30 : memref<8xi32, #tpu.memory_space<vmem>>) semaphore(%arg18 : memref<!tpu.dma_semaphore, #tpu.memory_space<semaphore_mem>>)
    %dma_start3A_34 = arith.constant 0 : i32
    %dma_start3A_35 = arith.constant 0 : i32
    %dma_start3A_36 = arith.constant 0 : i32
    %dma_start3A_37 = tpu.memref_slice %arg17[%dma_start3A_34, %dma_start3A_35, %dma_start3A_36] : memref<2x8x1024xf32, #tpu.memory_space<vmem>> -> memref<1x8x1024xf32, #tpu.memory_space<vmem>>
    %dma_start3A_38 = tpu.memref_squeeze %dma_start3A_37 : memref<1x8x1024xf32, #tpu.memory_space<vmem>> -> memref<8x1024xf32, #tpu.memory_space<vmem>>
    %dma_start3A_39 = tpu.memref_slice %arg12[%mul3A_9] : memref<1024xi32, #tpu.memory_space<vmem>> -> memref<8xi32, #tpu.memory_space<vmem>>
    %dma_start3A_40 = arith.constant 0 : i32
    %dma_start3A_41 = arith.constant 0 : i32
    %dma_start3A_42 = tpu.memref_slice %arg8[%dma_start3A_40, %dma_start3A_41] : memref<8192x1024xf32, #tpu.memory_space<hbm>> -> memref<8192x1024xf32, #tpu.memory_space<hbm>>
    tpu.enqueue_indirect_dma source(%dma_start3A_42 : memref<8192x1024xf32, #tpu.memory_space<hbm>>) target(%dma_start3A_38 : memref<8x1024xf32, #tpu.memory_space<vmem>>) offsets(%dma_start3A_39 : memref<8xi32, #tpu.memory_space<vmem>>) semaphore(%arg18 : memref<!tpu.dma_semaphore, #tpu.memory_space<semaphore_mem>>)
    %scan3A = arith.constant 0 : i32
    %scan3A_43 = arith.constant 0 : i32
    %scan3A_44 = arith.constant 32 : i32
    %scan3A_45 = arith.addi %scan3A_43, %scan3A_44 : i32
    %scan3A_46 = arith.constant 1 : i32
    %scan3A_47 = scf.for %scan3A_93 = %scan3A_43 to %scan3A_45 step %scan3A_46 iter_args(%scan3A_94 = %scan3A) -> (i32)  : i32 {
      %mul3A_95 = arith.constant 4 : i32
      %mul3A_96 = arith.muli %mul3A_95, %scan3A_93 : i32
      %add3A_97 = arith.constant 0 : i32
      %add3A_98 = arith.addi %mul3A_96, %add3A_97 : i32
      %ge3A = arith.constant 1 : i32
      %ge3A_99 = arith.cmpi sge, %scan3A_93, %ge3A : i32
      %convert_element_type3A = arith.extui %ge3A_99 : i1 to i32
      %cond3A = arith.constant 0 : i32
      %cond3A_100 = arith.cmpi ne, %convert_element_type3A, %cond3A : i32
      scf.if %cond3A_100 {
        %dma_wait3A_697 = arith.constant 0 : i32
        %dma_wait3A_698 = arith.constant 0 : i32
        %dma_wait3A_699 = arith.constant 0 : i32
        %dma_wait3A_700 = tpu.memref_slice %arg13[%dma_wait3A_697, %dma_wait3A_698, %dma_wait3A_699] : memref<4x8x1024xf32, #tpu.memory_space<vmem>> -> memref<1x8x1024xf32, #tpu.memory_space<vmem>>
        %dma_wait3A_701 = tpu.memref_squeeze %dma_wait3A_700 : memref<1x8x1024xf32, #tpu.memory_space<vmem>> -> memref<8x1024xf32, #tpu.memory_space<vmem>>
        %dma_wait3A_702 = arith.constant 0 : i32
        %dma_wait3A_703 = arith.constant 0 : i32
        %dma_wait3A_704 = tpu.memref_slice %arg9[%dma_wait3A_702, %dma_wait3A_703] : memref<32768x1024xf32, #tpu.memory_space<hbm>> -> memref<8x1024xf32, #tpu.memory_space<hbm>>
        %dma_wait3A_705 = arith.constant 0 : i32
        %dma_wait3A_706 = arith.constant 0 : i32
        %dma_wait3A_707 = tpu.memref_slice %arg9[%dma_wait3A_705, %dma_wait3A_706] : memref<32768x1024xf32, #tpu.memory_space<hbm>> -> memref<8x1024xf32, #tpu.memory_space<hbm>>
        %dma_wait3A_708 = arith.constant 0 : i32
        %dma_wait3A_709 = arith.constant 0 : i32
        %dma_wait3A_710 = tpu.memref_slice %arg13[%dma_wait3A_697, %dma_wait3A_708, %dma_wait3A_709] : memref<4x8x1024xf32, #tpu.memory_space<vmem>> -> memref<1x8x1024xf32, #tpu.memory_space<vmem>>
        %dma_wait3A_711 = tpu.memref_squeeze %dma_wait3A_710 : memref<1x8x1024xf32, #tpu.memory_space<vmem>> -> memref<8x1024xf32, #tpu.memory_space<vmem>>
        tpu.wait_dma2 semaphore(%arg24 : memref<!tpu.dma_semaphore, #tpu.memory_space<semaphore_mem>>) src(%dma_wait3A_711 : memref<8x1024xf32, #tpu.memory_space<vmem>>) dst(%dma_wait3A_707 : memref<8x1024xf32, #tpu.memory_space<hbm>>)
      } else {
      }
      %add3A_101 = arith.constant 1 : i32
      %add3A_102 = arith.addi %add3A_98, %add3A_101 : i32
      %mul3A_103 = arith.constant 8 : i32
      %mul3A_104 = arith.muli %add3A_102, %mul3A_103 : i32
      %add3A_105 = arith.addi %mul3A_2, %mul3A_104 : i32
      %mul3A_106 = arith.constant 8 : i32
      %mul3A_107 = arith.muli %add3A_102, %mul3A_106 : i32
      %dma_start3A_108 = arith.constant 1 : i32
      %dma_start3A_109 = arith.constant 0 : i32
      %dma_start3A_110 = arith.constant 0 : i32
      %dma_start3A_111 = tpu.memref_slice %arg14[%arg1, %dma_start3A_108, %dma_start3A_109, %dma_start3A_110] : memref<16x2x8x1024xf32, #tpu.memory_space<vmem_shared>> -> memref<1x1x8x1024xf32, #tpu.memory_space<vmem_shared>>
      %dma_start3A_112 = tpu.memref_squeeze %dma_start3A_111 : memref<1x1x8x1024xf32, #tpu.memory_space<vmem_shared>> -> memref<8x1024xf32, #tpu.memory_space<vmem_shared>>
      %dma_start3A_113 = arith.constant 0 : i32
      %dma_start3A_114 = tpu.memref_slice %arg2[%add3A_105, %dma_start3A_113] : memref<32768x1024xf32, #tpu.memory_space<hbm>> -> memref<8x1024xf32, #tpu.memory_space<hbm>>
      tpu.enqueue_dma source(%dma_start3A_114 : memref<8x1024xf32, #tpu.memory_space<hbm>>) target(%dma_start3A_112 : memref<8x1024xf32, #tpu.memory_space<vmem_shared>>) target_semaphore(%arg21 : memref<!tpu.dma_semaphore, #tpu.memory_space<semaphore_mem>>)
      %dma_start3A_115 = arith.constant 1 : i32
      %dma_start3A_116 = arith.constant 0 : i32
      %dma_start3A_117 = arith.constant 0 : i32
      %dma_start3A_118 = tpu.memref_slice %arg15[%dma_start3A_115, %dma_start3A_116, %dma_start3A_117] : memref<2x8x1024xf32, #tpu.memory_space<vmem>> -> memref<1x8x1024xf32, #tpu.memory_space<vmem>>
      %dma_start3A_119 = tpu.memref_squeeze %dma_start3A_118 : memref<1x8x1024xf32, #tpu.memory_space<vmem>> -> memref<8x1024xf32, #tpu.memory_space<vmem>>
      %dma_start3A_120 = tpu.memref_slice %arg10[%mul3A_107] : memref<1024xi32, #tpu.memory_space<vmem>> -> memref<8xi32, #tpu.memory_space<vmem>>
      %dma_start3A_121 = arith.constant 0 : i32
      %dma_start3A_122 = arith.constant 0 : i32
      %dma_start3A_123 = tpu.memref_slice %arg6[%dma_start3A_121, %dma_start3A_122] : memref<8192x1024xf32, #tpu.memory_space<hbm>> -> memref<8192x1024xf32, #tpu.memory_space<hbm>>
      tpu.enqueue_indirect_dma source(%dma_start3A_123 : memref<8192x1024xf32, #tpu.memory_space<hbm>>) target(%dma_start3A_119 : memref<8x1024xf32, #tpu.memory_space<vmem>>) offsets(%dma_start3A_120 : memref<8xi32, #tpu.memory_space<vmem>>) semaphore(%arg19 : memref<!tpu.dma_semaphore, #tpu.memory_space<semaphore_mem>>)
      %dma_start3A_124 = arith.constant 1 : i32
      %dma_start3A_125 = arith.constant 0 : i32
      %dma_start3A_126 = arith.constant 0 : i32
      %dma_start3A_127 = tpu.memref_slice %arg16[%dma_start3A_124, %dma_start3A_125, %dma_start3A_126] : memref<2x8x1024xf32, #tpu.memory_space<vmem>> -> memref<1x8x1024xf32, #tpu.memory_space<vmem>>
      %dma_start3A_128 = tpu.memref_squeeze %dma_start3A_127 : memref<1x8x1024xf32, #tpu.memory_space<vmem>> -> memref<8x1024xf32, #tpu.memory_space<vmem>>
      %dma_start3A_129 = tpu.memref_slice %arg11[%mul3A_107] : memref<1024xi32, #tpu.memory_space<vmem>> -> memref<8xi32, #tpu.memory_space<vmem>>
      %dma_start3A_130 = arith.constant 0 : i32
      %dma_start3A_131 = arith.constant 0 : i32
      %dma_start3A_132 = tpu.memref_slice %arg7[%dma_start3A_130, %dma_start3A_131] : memref<8192x1024xf32, #tpu.memory_space<hbm>> -> memref<8192x1024xf32, #tpu.memory_space<hbm>>
      tpu.enqueue_indirect_dma source(%dma_start3A_132 : memref<8192x1024xf32, #tpu.memory_space<hbm>>) target(%dma_start3A_128 : memref<8x1024xf32, #tpu.memory_space<vmem>>) offsets(%dma_start3A_129 : memref<8xi32, #tpu.memory_space<vmem>>) semaphore(%arg19 : memref<!tpu.dma_semaphore, #tpu.memory_space<semaphore_mem>>)
      %dma_start3A_133 = arith.constant 1 : i32
      %dma_start3A_134 = arith.constant 0 : i32
      %dma_start3A_135 = arith.constant 0 : i32
      %dma_start3A_136 = tpu.memref_slice %arg17[%dma_start3A_133, %dma_start3A_134, %dma_start3A_135] : memref<2x8x1024xf32, #tpu.memory_space<vmem>> -> memref<1x8x1024xf32, #tpu.memory_space<vmem>>
      %dma_start3A_137 = tpu.memref_squeeze %dma_start3A_136 : memref<1x8x1024xf32, #tpu.memory_space<vmem>> -> memref<8x1024xf32, #tpu.memory_space<vmem>>
      %dma_start3A_138 = tpu.memref_slice %arg12[%mul3A_107] : memref<1024xi32, #tpu.memory_space<vmem>> -> memref<8xi32, #tpu.memory_space<vmem>>
      %dma_start3A_139 = arith.constant 0 : i32
      %dma_start3A_140 = arith.constant 0 : i32
      %dma_start3A_141 = tpu.memref_slice %arg8[%dma_start3A_139, %dma_start3A_140] : memref<8192x1024xf32, #tpu.memory_space<hbm>> -> memref<8192x1024xf32, #tpu.memory_space<hbm>>
      tpu.enqueue_indirect_dma source(%dma_start3A_141 : memref<8192x1024xf32, #tpu.memory_space<hbm>>) target(%dma_start3A_137 : memref<8x1024xf32, #tpu.memory_space<vmem>>) offsets(%dma_start3A_138 : memref<8xi32, #tpu.memory_space<vmem>>) semaphore(%arg19 : memref<!tpu.dma_semaphore, #tpu.memory_space<semaphore_mem>>)
      %dma_wait3A_142 = arith.constant 0 : i32
      %dma_wait3A_143 = arith.constant 0 : i32
      %dma_wait3A_144 = arith.constant 0 : i32
      %dma_wait3A_145 = tpu.memref_slice %arg14[%arg1, %dma_wait3A_142, %dma_wait3A_143, %dma_wait3A_144] : memref<16x2x8x1024xf32, #tpu.memory_space<vmem_shared>> -> memref<1x1x8x1024xf32, #tpu.memory_space<vmem_shared>>
      %dma_wait3A_146 = tpu.memref_squeeze %dma_wait3A_145 : memref<1x1x8x1024xf32, #tpu.memory_space<vmem_shared>> -> memref<8x1024xf32, #tpu.memory_space<vmem_shared>>
      %dma_wait3A_147 = arith.constant 0 : i32
      %dma_wait3A_148 = arith.constant 0 : i32
      %dma_wait3A_149 = tpu.memref_slice %arg2[%dma_wait3A_147, %dma_wait3A_148] : memref<32768x1024xf32, #tpu.memory_space<hbm>> -> memref<8x1024xf32, #tpu.memory_space<hbm>>
      tpu.wait_dma2 semaphore(%arg20 : memref<!tpu.dma_semaphore, #tpu.memory_space<semaphore_mem>>) src(%dma_wait3A_149 : memref<8x1024xf32, #tpu.memory_space<hbm>>) dst(%dma_wait3A_146 : memref<8x1024xf32, #tpu.memory_space<vmem_shared>>)
      %dma_start3A_150 = arith.constant 0 : i32
      %dma_start3A_151 = arith.constant 0 : i32
      %dma_start3A_152 = arith.constant 0 : i32
      %dma_start3A_153 = arith.constant 0 : i32
      %dma_start3A_154 = tpu.memref_slice %arg13[%dma_start3A_151, %dma_start3A_152, %dma_start3A_153] : memref<4x8x1024xf32, #tpu.memory_space<vmem>> -> memref<1x8x1024xf32, #tpu.memory_space<vmem>>
      %dma_start3A_155 = tpu.memref_squeeze %dma_start3A_154 : memref<1x8x1024xf32, #tpu.memory_space<vmem>> -> memref<8x1024xf32, #tpu.memory_space<vmem>>
      %dma_start3A_156 = arith.constant 0 : i32
      %dma_start3A_157 = arith.constant 0 : i32
      %dma_start3A_158 = tpu.memref_slice %arg14[%arg1, %dma_start3A_150, %dma_start3A_156, %dma_start3A_157] : memref<16x2x8x1024xf32, #tpu.memory_space<vmem_shared>> -> memref<1x1x8x1024xf32, #tpu.memory_space<vmem_shared>>
      %dma_start3A_159 = tpu.memref_squeeze %dma_start3A_158 : memref<1x1x8x1024xf32, #tpu.memory_space<vmem_shared>> -> memref<8x1024xf32, #tpu.memory_space<vmem_shared>>
      %dma_start3A_160 = arith.constant 0 : i32
      %dma_start3A_161 = arith.constant 0 : i32
      %dma_start3A_162 = tpu.memref_slice %arg13[%dma_start3A_151, %dma_start3A_160, %dma_start3A_161] : memref<4x8x1024xf32, #tpu.memory_space<vmem>> -> memref<1x8x1024xf32, #tpu.memory_space<vmem>>
      %dma_start3A_163 = tpu.memref_squeeze %dma_start3A_162 : memref<1x8x1024xf32, #tpu.memory_space<vmem>> -> memref<8x1024xf32, #tpu.memory_space<vmem>>
      %dma_start3A_164 = arith.constant 0 : i32
      %dma_start3A_165 = arith.constant 0 : i32
      %dma_start3A_166 = tpu.memref_slice %arg14[%arg1, %dma_start3A_150, %dma_start3A_164, %dma_start3A_165] : memref<16x2x8x1024xf32, #tpu.memory_space<vmem_shared>> -> memref<1x1x8x1024xf32, #tpu.memory_space<vmem_shared>>
      %dma_start3A_167 = tpu.memref_squeeze %dma_start3A_166 : memref<1x1x8x1024xf32, #tpu.memory_space<vmem_shared>> -> memref<8x1024xf32, #tpu.memory_space<vmem_shared>>
      tpu.enqueue_dma source(%dma_start3A_167 : memref<8x1024xf32, #tpu.memory_space<vmem_shared>>) target(%dma_start3A_163 : memref<8x1024xf32, #tpu.memory_space<vmem>>) target_semaphore(%arg22 : memref<!tpu.dma_semaphore, #tpu.memory_space<semaphore_mem>>)
      %dma_wait3A_168 = arith.constant 0 : i32
      %dma_wait3A_169 = arith.constant 0 : i32
      %dma_wait3A_170 = arith.constant 0 : i32
      %dma_wait3A_171 = tpu.memref_slice %arg15[%dma_wait3A_168, %dma_wait3A_169, %dma_wait3A_170] : memref<2x8x1024xf32, #tpu.memory_space<vmem>> -> memref<1x8x1024xf32, #tpu.memory_space<vmem>>
      %dma_wait3A_172 = tpu.memref_squeeze %dma_wait3A_171 : memref<1x8x1024xf32, #tpu.memory_space<vmem>> -> memref<8x1024xf32, #tpu.memory_space<vmem>>
      %dma_wait3A_173 = arith.constant 0 : i32
      %dma_wait3A_174 = arith.constant 0 : i32
      %dma_wait3A_175 = tpu.memref_slice %arg2[%dma_wait3A_173, %dma_wait3A_174] : memref<32768x1024xf32, #tpu.memory_space<hbm>> -> memref<8x1024xf32, #tpu.memory_space<hbm>>
      %dma_wait3A_176 = arith.constant 0 : i32
      %dma_wait3A_177 = arith.constant 0 : i32
      %dma_wait3A_178 = tpu.memref_slice %arg15[%dma_wait3A_168, %dma_wait3A_176, %dma_wait3A_177] : memref<2x8x1024xf32, #tpu.memory_space<vmem>> -> memref<1x8x1024xf32, #tpu.memory_space<vmem>>
      %dma_wait3A_179 = tpu.memref_squeeze %dma_wait3A_178 : memref<1x8x1024xf32, #tpu.memory_space<vmem>> -> memref<8x1024xf32, #tpu.memory_space<vmem>>
      %dma_wait3A_180 = arith.constant 0 : i32
      %dma_wait3A_181 = arith.constant 0 : i32
      %dma_wait3A_182 = tpu.memref_slice %arg2[%dma_wait3A_180, %dma_wait3A_181] : memref<32768x1024xf32, #tpu.memory_space<hbm>> -> memref<8x1024xf32, #tpu.memory_space<hbm>>
      tpu.wait_dma2 semaphore(%arg18 : memref<!tpu.dma_semaphore, #tpu.memory_space<semaphore_mem>>) src(%dma_wait3A_182 : memref<8x1024xf32, #tpu.memory_space<hbm>>) dst(%dma_wait3A_179 : memref<8x1024xf32, #tpu.memory_space<vmem>>)
      %dma_wait3A_183 = arith.constant 0 : i32
      %dma_wait3A_184 = arith.constant 0 : i32
      %dma_wait3A_185 = arith.constant 0 : i32
      %dma_wait3A_186 = tpu.memref_slice %arg16[%dma_wait3A_183, %dma_wait3A_184, %dma_wait3A_185] : memref<2x8x1024xf32, #tpu.memory_space<vmem>> -> memref<1x8x1024xf32, #tpu.memory_space<vmem>>
      %dma_wait3A_187 = tpu.memref_squeeze %dma_wait3A_186 : memref<1x8x1024xf32, #tpu.memory_space<vmem>> -> memref<8x1024xf32, #tpu.memory_space<vmem>>
      %dma_wait3A_188 = arith.constant 0 : i32
      %dma_wait3A_189 = arith.constant 0 : i32
      %dma_wait3A_190 = tpu.memref_slice %arg2[%dma_wait3A_188, %dma_wait3A_189] : memref<32768x1024xf32, #tpu.memory_space<hbm>> -> memref<8x1024xf32, #tpu.memory_space<hbm>>
      %dma_wait3A_191 = arith.constant 0 : i32
      %dma_wait3A_192 = arith.constant 0 : i32
      %dma_wait3A_193 = tpu.memref_slice %arg16[%dma_wait3A_183, %dma_wait3A_191, %dma_wait3A_192] : memref<2x8x1024xf32, #tpu.memory_space<vmem>> -> memref<1x8x1024xf32, #tpu.memory_space<vmem>>
      %dma_wait3A_194 = tpu.memref_squeeze %dma_wait3A_193 : memref<1x8x1024xf32, #tpu.memory_space<vmem>> -> memref<8x1024xf32, #tpu.memory_space<vmem>>
      %dma_wait3A_195 = arith.constant 0 : i32
      %dma_wait3A_196 = arith.constant 0 : i32
      %dma_wait3A_197 = tpu.memref_slice %arg2[%dma_wait3A_195, %dma_wait3A_196] : memref<32768x1024xf32, #tpu.memory_space<hbm>> -> memref<8x1024xf32, #tpu.memory_space<hbm>>
      tpu.wait_dma2 semaphore(%arg18 : memref<!tpu.dma_semaphore, #tpu.memory_space<semaphore_mem>>) src(%dma_wait3A_197 : memref<8x1024xf32, #tpu.memory_space<hbm>>) dst(%dma_wait3A_194 : memref<8x1024xf32, #tpu.memory_space<vmem>>)
      %dma_wait3A_198 = arith.constant 0 : i32
      %dma_wait3A_199 = arith.constant 0 : i32
      %dma_wait3A_200 = arith.constant 0 : i32
      %dma_wait3A_201 = tpu.memref_slice %arg17[%dma_wait3A_198, %dma_wait3A_199, %dma_wait3A_200] : memref<2x8x1024xf32, #tpu.memory_space<vmem>> -> memref<1x8x1024xf32, #tpu.memory_space<vmem>>
      %dma_wait3A_202 = tpu.memref_squeeze %dma_wait3A_201 : memref<1x8x1024xf32, #tpu.memory_space<vmem>> -> memref<8x1024xf32, #tpu.memory_space<vmem>>
      %dma_wait3A_203 = arith.constant 0 : i32
      %dma_wait3A_204 = arith.constant 0 : i32
      %dma_wait3A_205 = tpu.memref_slice %arg2[%dma_wait3A_203, %dma_wait3A_204] : memref<32768x1024xf32, #tpu.memory_space<hbm>> -> memref<8x1024xf32, #tpu.memory_space<hbm>>
      %dma_wait3A_206 = arith.constant 0 : i32
      %dma_wait3A_207 = arith.constant 0 : i32
      %dma_wait3A_208 = tpu.memref_slice %arg17[%dma_wait3A_198, %dma_wait3A_206, %dma_wait3A_207] : memref<2x8x1024xf32, #tpu.memory_space<vmem>> -> memref<1x8x1024xf32, #tpu.memory_space<vmem>>
      %dma_wait3A_209 = tpu.memref_squeeze %dma_wait3A_208 : memref<1x8x1024xf32, #tpu.memory_space<vmem>> -> memref<8x1024xf32, #tpu.memory_space<vmem>>
      %dma_wait3A_210 = arith.constant 0 : i32
      %dma_wait3A_211 = arith.constant 0 : i32
      %dma_wait3A_212 = tpu.memref_slice %arg2[%dma_wait3A_210, %dma_wait3A_211] : memref<32768x1024xf32, #tpu.memory_space<hbm>> -> memref<8x1024xf32, #tpu.memory_space<hbm>>
      tpu.wait_dma2 semaphore(%arg18 : memref<!tpu.dma_semaphore, #tpu.memory_space<semaphore_mem>>) src(%dma_wait3A_212 : memref<8x1024xf32, #tpu.memory_space<hbm>>) dst(%dma_wait3A_209 : memref<8x1024xf32, #tpu.memory_space<vmem>>)
      %dma_wait3A_213 = arith.constant 0 : i32
      %dma_wait3A_214 = arith.constant 0 : i32
      %dma_wait3A_215 = arith.constant 0 : i32
      %dma_wait3A_216 = arith.constant 0 : i32
      %dma_wait3A_217 = tpu.memref_slice %arg13[%dma_wait3A_214, %dma_wait3A_215, %dma_wait3A_216] : memref<4x8x1024xf32, #tpu.memory_space<vmem>> -> memref<1x8x1024xf32, #tpu.memory_space<vmem>>
      %dma_wait3A_218 = tpu.memref_squeeze %dma_wait3A_217 : memref<1x8x1024xf32, #tpu.memory_space<vmem>> -> memref<8x1024xf32, #tpu.memory_space<vmem>>
      %dma_wait3A_219 = arith.constant 0 : i32
      %dma_wait3A_220 = arith.constant 0 : i32
      %dma_wait3A_221 = tpu.memref_slice %arg14[%arg1, %dma_wait3A_213, %dma_wait3A_219, %dma_wait3A_220] : memref<16x2x8x1024xf32, #tpu.memory_space<vmem_shared>> -> memref<1x1x8x1024xf32, #tpu.memory_space<vmem_shared>>
      %dma_wait3A_222 = tpu.memref_squeeze %dma_wait3A_221 : memref<1x1x8x1024xf32, #tpu.memory_space<vmem_shared>> -> memref<8x1024xf32, #tpu.memory_space<vmem_shared>>
      %dma_wait3A_223 = arith.constant 0 : i32
      %dma_wait3A_224 = arith.constant 0 : i32
      %dma_wait3A_225 = tpu.memref_slice %arg13[%dma_wait3A_214, %dma_wait3A_223, %dma_wait3A_224] : memref<4x8x1024xf32, #tpu.memory_space<vmem>> -> memref<1x8x1024xf32, #tpu.memory_space<vmem>>
      %dma_wait3A_226 = tpu.memref_squeeze %dma_wait3A_225 : memref<1x8x1024xf32, #tpu.memory_space<vmem>> -> memref<8x1024xf32, #tpu.memory_space<vmem>>
      %dma_wait3A_227 = arith.constant 0 : i32
      %dma_wait3A_228 = arith.constant 0 : i32
      %dma_wait3A_229 = tpu.memref_slice %arg14[%arg1, %dma_wait3A_213, %dma_wait3A_227, %dma_wait3A_228] : memref<16x2x8x1024xf32, #tpu.memory_space<vmem_shared>> -> memref<1x1x8x1024xf32, #tpu.memory_space<vmem_shared>>
      %dma_wait3A_230 = tpu.memref_squeeze %dma_wait3A_229 : memref<1x1x8x1024xf32, #tpu.memory_space<vmem_shared>> -> memref<8x1024xf32, #tpu.memory_space<vmem_shared>>
      tpu.wait_dma2 semaphore(%arg22 : memref<!tpu.dma_semaphore, #tpu.memory_space<semaphore_mem>>) src(%dma_wait3A_230 : memref<8x1024xf32, #tpu.memory_space<vmem_shared>>) dst(%dma_wait3A_226 : memref<8x1024xf32, #tpu.memory_space<vmem>>)
      %parallel_loop3A = arith.constant 0 : i32
      %parallel_loop3A_231 = arith.constant 512 : i32
      %parallel_loop3A_232 = arith.constant 1 : i32
      scf.for %parallel_loop3A_697 = %parallel_loop3A to %parallel_loop3A_231 step %parallel_loop3A_232  : i32 {
        %parallel_loop3A_698 = arith.constant 6 : i32
        %parallel_loop3A_699 = arith.shrsi %parallel_loop3A_697, %parallel_loop3A_698 : i32
        %parallel_loop3A_700 = arith.constant 63 : i32
        %parallel_loop3A_701 = arith.andi %parallel_loop3A_697, %parallel_loop3A_700 : i32
        %parallel_loop3A_702 = arith.constant 16 : i32
        %parallel_loop3A_703 = arith.muli %parallel_loop3A_701, %parallel_loop3A_702 : i32
        %parallel_loop3A_704 = arith.constant 0 : i32
        %parallel_loop3A_705 = arith.index_cast %parallel_loop3A_704 : i32 to index
        %parallel_loop3A_706 = arith.index_cast %parallel_loop3A_699 : i32 to index
        %parallel_loop3A_707 = arith.index_cast %parallel_loop3A_703 : i32 to index
        %parallel_loop3A_708 = tpu.vector_load %arg15[%parallel_loop3A_705, %parallel_loop3A_706, %parallel_loop3A_707] {strides = array<i32>} : memref<2x8x1024xf32, #tpu.memory_space<vmem>>, vector<1x1x16xf32>,
        %parallel_loop3A_709 = vector.shape_cast %parallel_loop3A_708 : vector<1x1x16xf32> to vector<16xf32>
        %parallel_loop3A_710 = arith.constant 0 : i32
        %parallel_loop3A_711 = arith.index_cast %parallel_loop3A_710 : i32 to index
        %parallel_loop3A_712 = arith.index_cast %parallel_loop3A_699 : i32 to index
        %parallel_loop3A_713 = arith.index_cast %parallel_loop3A_703 : i32 to index
        %parallel_loop3A_714 = tpu.vector_load %arg16[%parallel_loop3A_711, %parallel_loop3A_712, %parallel_loop3A_713] {strides = array<i32>} : memref<2x8x1024xf32, #tpu.memory_space<vmem>>, vector<1x1x16xf32>,
        %parallel_loop3A_715 = vector.shape_cast %parallel_loop3A_714 : vector<1x1x16xf32> to vector<16xf32>
        %parallel_loop3A_716 = arith.addf %parallel_loop3A_709, %parallel_loop3A_715 : vector<16xf32>
        %parallel_loop3A_717 = arith.constant 0 : i32
        %parallel_loop3A_718 = arith.index_cast %parallel_loop3A_717 : i32 to index
        %parallel_loop3A_719 = arith.index_cast %parallel_loop3A_699 : i32 to index
        %parallel_loop3A_720 = arith.index_cast %parallel_loop3A_703 : i32 to index
        %parallel_loop3A_721 = tpu.vector_load %arg17[%parallel_loop3A_718, %parallel_loop3A_719, %parallel_loop3A_720] {strides = array<i32>} : memref<2x8x1024xf32, #tpu.memory_space<vmem>>, vector<1x1x16xf32>,
        %parallel_loop3A_722 = vector.shape_cast %parallel_loop3A_721 : vector<1x1x16xf32> to vector<16xf32>
        %parallel_loop3A_723 = arith.addf %parallel_loop3A_716, %parallel_loop3A_722 : vector<16xf32>
        %parallel_loop3A_724 = arith.constant 0 : i32
        %parallel_loop3A_725 = arith.index_cast %parallel_loop3A_724 : i32 to index
        %parallel_loop3A_726 = arith.index_cast %parallel_loop3A_699 : i32 to index
        %parallel_loop3A_727 = arith.index_cast %parallel_loop3A_703 : i32 to index
        %parallel_loop3A_728 = tpu.vector_load %arg13[%parallel_loop3A_725, %parallel_loop3A_726, %parallel_loop3A_727] {strides = array<i32>} : memref<4x8x1024xf32, #tpu.memory_space<vmem>>, vector<1x1x16xf32>,
        %parallel_loop3A_729 = vector.shape_cast %parallel_loop3A_728 : vector<1x1x16xf32> to vector<16xf32>
        %parallel_loop3A_730 = vector.shape_cast %parallel_loop3A_723 : vector<16xf32> to vector<1x1x16xf32>
        tpu.vector_store %arg13[%parallel_loop3A_725, %parallel_loop3A_726, %parallel_loop3A_727], %parallel_loop3A_730 {add = true, strides = array<i32>} : memref<4x8x1024xf32, #tpu.memory_space<vmem>>, vector<1x1x16xf32>,
      } {sc.loop_unroll_factor = 8 : i64, sc.parallel_access}
      %mul3A_233 = arith.constant 8 : i32
      %mul3A_234 = arith.muli %add3A_98, %mul3A_233 : i32
      %add3A_235 = arith.addi %mul3A_2, %mul3A_234 : i32
      %dma_start3A_236 = arith.constant 0 : i32
      %dma_start3A_237 = arith.constant 0 : i32
      %dma_start3A_238 = arith.constant 0 : i32
      %dma_start3A_239 = tpu.memref_slice %arg13[%dma_start3A_236, %dma_start3A_237, %dma_start3A_238] : memref<4x8x1024xf32, #tpu.memory_space<vmem>> -> memref<1x8x1024xf32, #tpu.memory_space<vmem>>
      %dma_start3A_240 = tpu.memref_squeeze %dma_start3A_239 : memref<1x8x1024xf32, #tpu.memory_space<vmem>> -> memref<8x1024xf32, #tpu.memory_space<vmem>>
      %dma_start3A_241 = arith.constant 0 : i32
      %dma_start3A_242 = tpu.memref_slice %arg9[%add3A_235, %dma_start3A_241] : memref<32768x1024xf32, #tpu.memory_space<hbm>> -> memref<8x1024xf32, #tpu.memory_space<hbm>>
      %dma_start3A_243 = arith.constant 0 : i32
      %dma_start3A_244 = tpu.memref_slice %arg9[%add3A_235, %dma_start3A_243] : memref<32768x1024xf32, #tpu.memory_space<hbm>> -> memref<8x1024xf32, #tpu.memory_space<hbm>>
      %dma_start3A_245 = arith.constant 0 : i32
      %dma_start3A_246 = arith.constant 0 : i32
      %dma_start3A_247 = tpu.memref_slice %arg13[%dma_start3A_236, %dma_start3A_245, %dma_start3A_246] : memref<4x8x1024xf32, #tpu.memory_space<vmem>> -> memref<1x8x1024xf32, #tpu.memory_space<vmem>>
      %dma_start3A_248 = tpu.memref_squeeze %dma_start3A_247 : memref<1x8x1024xf32, #tpu.memory_space<vmem>> -> memref<8x1024xf32, #tpu.memory_space<vmem>>
      tpu.enqueue_dma source(%dma_start3A_248 : memref<8x1024xf32, #tpu.memory_space<vmem>>) target(%dma_start3A_244 : memref<8x1024xf32, #tpu.memory_space<hbm>>) target_semaphore(%arg23 : memref<!tpu.dma_semaphore, #tpu.memory_space<semaphore_mem>>)
      %mul3A_249 = arith.constant 4 : i32
      %mul3A_250 = arith.muli %mul3A_249, %scan3A_93 : i32
      %add3A_251 = arith.constant 1 : i32
      %add3A_252 = arith.addi %mul3A_250, %add3A_251 : i32
      %ge3A_253 = arith.constant 1 : i32
      %ge3A_254 = arith.cmpi sge, %scan3A_93, %ge3A_253 : i32
      %convert_element_type3A_255 = arith.extui %ge3A_254 : i1 to i32
      %cond3A_256 = arith.constant 0 : i32
      %cond3A_257 = arith.cmpi ne, %convert_element_type3A_255, %cond3A_256 : i32
      scf.if %cond3A_257 {
        %dma_wait3A_697 = arith.constant 0 : i32
        %dma_wait3A_698 = arith.constant 0 : i32
        %dma_wait3A_699 = arith.constant 0 : i32
        %dma_wait3A_700 = tpu.memref_slice %arg13[%dma_wait3A_697, %dma_wait3A_698, %dma_wait3A_699] : memref<4x8x1024xf32, #tpu.memory_space<vmem>> -> memref<1x8x1024xf32, #tpu.memory_space<vmem>>
        %dma_wait3A_701 = tpu.memref_squeeze %dma_wait3A_700 : memref<1x8x1024xf32, #tpu.memory_space<vmem>> -> memref<8x1024xf32, #tpu.memory_space<vmem>>
        %dma_wait3A_702 = arith.constant 0 : i32
        %dma_wait3A_703 = arith.constant 0 : i32
        %dma_wait3A_704 = tpu.memref_slice %arg9[%dma_wait3A_702, %dma_wait3A_703] : memref<32768x1024xf32, #tpu.memory_space<hbm>> -> memref<8x1024xf32, #tpu.memory_space<hbm>>
        %dma_wait3A_705 = arith.constant 0 : i32
        %dma_wait3A_706 = arith.constant 0 : i32
        %dma_wait3A_707 = tpu.memref_slice %arg9[%dma_wait3A_705, %dma_wait3A_706] : memref<32768x1024xf32, #tpu.memory_space<hbm>> -> memref<8x1024xf32, #tpu.memory_space<hbm>>
        %dma_wait3A_708 = arith.constant 0 : i32
        %dma_wait3A_709 = arith.constant 0 : i32
        %dma_wait3A_710 = tpu.memref_slice %arg13[%dma_wait3A_697, %dma_wait3A_708, %dma_wait3A_709] : memref<4x8x1024xf32, #tpu.memory_space<vmem>> -> memref<1x8x1024xf32, #tpu.memory_space<vmem>>
        %dma_wait3A_711 = tpu.memref_squeeze %dma_wait3A_710 : memref<1x8x1024xf32, #tpu.memory_space<vmem>> -> memref<8x1024xf32, #tpu.memory_space<vmem>>
        tpu.wait_dma2 semaphore(%arg25 : memref<!tpu.dma_semaphore, #tpu.memory_space<semaphore_mem>>) src(%dma_wait3A_711 : memref<8x1024xf32, #tpu.memory_space<vmem>>) dst(%dma_wait3A_707 : memref<8x1024xf32, #tpu.memory_space<hbm>>)
      } else {
      }
      %add3A_258 = arith.constant 1 : i32
      %add3A_259 = arith.addi %add3A_252, %add3A_258 : i32
      %mul3A_260 = arith.constant 8 : i32
      %mul3A_261 = arith.muli %add3A_259, %mul3A_260 : i32
      %add3A_262 = arith.addi %mul3A_2, %mul3A_261 : i32
      %mul3A_263 = arith.constant 8 : i32
      %mul3A_264 = arith.muli %add3A_259, %mul3A_263 : i32
      %dma_start3A_265 = arith.constant 0 : i32
      %dma_start3A_266 = arith.constant 0 : i32
      %dma_start3A_267 = arith.constant 0 : i32
      %dma_start3A_268 = tpu.memref_slice %arg14[%arg1, %dma_start3A_265, %dma_start3A_266, %dma_start3A_267] : memref<16x2x8x1024xf32, #tpu.memory_space<vmem_shared>> -> memref<1x1x8x1024xf32, #tpu.memory_space<vmem_shared>>
      %dma_start3A_269 = tpu.memref_squeeze %dma_start3A_268 : memref<1x1x8x1024xf32, #tpu.memory_space<vmem_shared>> -> memref<8x1024xf32, #tpu.memory_space<vmem_shared>>
      %dma_start3A_270 = arith.constant 0 : i32
      %dma_start3A_271 = tpu.memref_slice %arg2[%add3A_262, %dma_start3A_270] : memref<32768x1024xf32, #tpu.memory_space<hbm>> -> memref<8x1024xf32, #tpu.memory_space<hbm>>
      tpu.enqueue_dma source(%dma_start3A_271 : memref<8x1024xf32, #tpu.memory_space<hbm>>) target(%dma_start3A_269 : memref<8x1024xf32, #tpu.memory_space<vmem_shared>>) target_semaphore(%arg20 : memref<!tpu.dma_semaphore, #tpu.memory_space<semaphore_mem>>)
      %dma_start3A_272 = arith.constant 0 : i32
      %dma_start3A_273 = arith.constant 0 : i32
      %dma_start3A_274 = arith.constant 0 : i32
      %dma_start3A_275 = tpu.memref_slice %arg15[%dma_start3A_272, %dma_start3A_273, %dma_start3A_274] : memref<2x8x1024xf32, #tpu.memory_space<vmem>> -> memref<1x8x1024xf32, #tpu.memory_space<vmem>>
      %dma_start3A_276 = tpu.memref_squeeze %dma_start3A_275 : memref<1x8x1024xf32, #tpu.memory_space<vmem>> -> memref<8x1024xf32, #tpu.memory_space<vmem>>
      %dma_start3A_277 = tpu.memref_slice %arg10[%mul3A_264] : memref<1024xi32, #tpu.memory_space<vmem>> -> memref<8xi32, #tpu.memory_space<vmem>>
      %dma_start3A_278 = arith.constant 0 : i32
      %dma_start3A_279 = arith.constant 0 : i32
      %dma_start3A_280 = tpu.memref_slice %arg6[%dma_start3A_278, %dma_start3A_279] : memref<8192x1024xf32, #tpu.memory_space<hbm>> -> memref<8192x1024xf32, #tpu.memory_space<hbm>>
      tpu.enqueue_indirect_dma source(%dma_start3A_280 : memref<8192x1024xf32, #tpu.memory_space<hbm>>) target(%dma_start3A_276 : memref<8x1024xf32, #tpu.memory_space<vmem>>) offsets(%dma_start3A_277 : memref<8xi32, #tpu.memory_space<vmem>>) semaphore(%arg18 : memref<!tpu.dma_semaphore, #tpu.memory_space<semaphore_mem>>)
      %dma_start3A_281 = arith.constant 0 : i32
      %dma_start3A_282 = arith.constant 0 : i32
      %dma_start3A_283 = arith.constant 0 : i32
      %dma_start3A_284 = tpu.memref_slice %arg16[%dma_start3A_281, %dma_start3A_282, %dma_start3A_283] : memref<2x8x1024xf32, #tpu.memory_space<vmem>> -> memref<1x8x1024xf32, #tpu.memory_space<vmem>>
      %dma_start3A_285 = tpu.memref_squeeze %dma_start3A_284 : memref<1x8x1024xf32, #tpu.memory_space<vmem>> -> memref<8x1024xf32, #tpu.memory_space<vmem>>
      %dma_start3A_286 = tpu.memref_slice %arg11[%mul3A_264] : memref<1024xi32, #tpu.memory_space<vmem>> -> memref<8xi32, #tpu.memory_space<vmem>>
      %dma_start3A_287 = arith.constant 0 : i32
      %dma_start3A_288 = arith.constant 0 : i32
      %dma_start3A_289 = tpu.memref_slice %arg7[%dma_start3A_287, %dma_start3A_288] : memref<8192x1024xf32, #tpu.memory_space<hbm>> -> memref<8192x1024xf32, #tpu.memory_space<hbm>>
      tpu.enqueue_indirect_dma source(%dma_start3A_289 : memref<8192x1024xf32, #tpu.memory_space<hbm>>) target(%dma_start3A_285 : memref<8x1024xf32, #tpu.memory_space<vmem>>) offsets(%dma_start3A_286 : memref<8xi32, #tpu.memory_space<vmem>>) semaphore(%arg18 : memref<!tpu.dma_semaphore, #tpu.memory_space<semaphore_mem>>)
      %dma_start3A_290 = arith.constant 0 : i32
      %dma_start3A_291 = arith.constant 0 : i32
      %dma_start3A_292 = arith.constant 0 : i32
      %dma_start3A_293 = tpu.memref_slice %arg17[%dma_start3A_290, %dma_start3A_291, %dma_start3A_292] : memref<2x8x1024xf32, #tpu.memory_space<vmem>> -> memref<1x8x1024xf32, #tpu.memory_space<vmem>>
      %dma_start3A_294 = tpu.memref_squeeze %dma_start3A_293 : memref<1x8x1024xf32, #tpu.memory_space<vmem>> -> memref<8x1024xf32, #tpu.memory_space<vmem>>
      %dma_start3A_295 = tpu.memref_slice %arg12[%mul3A_264] : memref<1024xi32, #tpu.memory_space<vmem>> -> memref<8xi32, #tpu.memory_space<vmem>>
      %dma_start3A_296 = arith.constant 0 : i32
      %dma_start3A_297 = arith.constant 0 : i32
      %dma_start3A_298 = tpu.memref_slice %arg8[%dma_start3A_296, %dma_start3A_297] : memref<8192x1024xf32, #tpu.memory_space<hbm>> -> memref<8192x1024xf32, #tpu.memory_space<hbm>>
      tpu.enqueue_indirect_dma source(%dma_start3A_298 : memref<8192x1024xf32, #tpu.memory_space<hbm>>) target(%dma_start3A_294 : memref<8x1024xf32, #tpu.memory_space<vmem>>) offsets(%dma_start3A_295 : memref<8xi32, #tpu.memory_space<vmem>>) semaphore(%arg18 : memref<!tpu.dma_semaphore, #tpu.memory_space<semaphore_mem>>)
      %dma_wait3A_299 = arith.constant 1 : i32
      %dma_wait3A_300 = arith.constant 0 : i32
      %dma_wait3A_301 = arith.constant 0 : i32
      %dma_wait3A_302 = tpu.memref_slice %arg14[%arg1, %dma_wait3A_299, %dma_wait3A_300, %dma_wait3A_301] : memref<16x2x8x1024xf32, #tpu.memory_space<vmem_shared>> -> memref<1x1x8x1024xf32, #tpu.memory_space<vmem_shared>>
      %dma_wait3A_303 = tpu.memref_squeeze %dma_wait3A_302 : memref<1x1x8x1024xf32, #tpu.memory_space<vmem_shared>> -> memref<8x1024xf32, #tpu.memory_space<vmem_shared>>
      %dma_wait3A_304 = arith.constant 0 : i32
      %dma_wait3A_305 = arith.constant 0 : i32
      %dma_wait3A_306 = tpu.memref_slice %arg2[%dma_wait3A_304, %dma_wait3A_305] : memref<32768x1024xf32, #tpu.memory_space<hbm>> -> memref<8x1024xf32, #tpu.memory_space<hbm>>
      tpu.wait_dma2 semaphore(%arg21 : memref<!tpu.dma_semaphore, #tpu.memory_space<semaphore_mem>>) src(%dma_wait3A_306 : memref<8x1024xf32, #tpu.memory_space<hbm>>) dst(%dma_wait3A_303 : memref<8x1024xf32, #tpu.memory_space<vmem_shared>>)
      %dma_start3A_307 = arith.constant 1 : i32
      %dma_start3A_308 = arith.constant 1 : i32
      %dma_start3A_309 = arith.constant 0 : i32
      %dma_start3A_310 = arith.constant 0 : i32
      %dma_start3A_311 = tpu.memref_slice %arg13[%dma_start3A_308, %dma_start3A_309, %dma_start3A_310] : memref<4x8x1024xf32, #tpu.memory_space<vmem>> -> memref<1x8x1024xf32, #tpu.memory_space<vmem>>
      %dma_start3A_312 = tpu.memref_squeeze %dma_start3A_311 : memref<1x8x1024xf32, #tpu.memory_space<vmem>> -> memref<8x1024xf32, #tpu.memory_space<vmem>>
      %dma_start3A_313 = arith.constant 0 : i32
      %dma_start3A_314 = arith.constant 0 : i32
      %dma_start3A_315 = tpu.memref_slice %arg14[%arg1, %dma_start3A_307, %dma_start3A_313, %dma_start3A_314] : memref<16x2x8x1024xf32, #tpu.memory_space<vmem_shared>> -> memref<1x1x8x1024xf32, #tpu.memory_space<vmem_shared>>
      %dma_start3A_316 = tpu.memref_squeeze %dma_start3A_315 : memref<1x1x8x1024xf32, #tpu.memory_space<vmem_shared>> -> memref<8x1024xf32, #tpu.memory_space<vmem_shared>>
      %dma_start3A_317 = arith.constant 0 : i32
      %dma_start3A_318 = arith.constant 0 : i32
      %dma_start3A_319 = tpu.memref_slice %arg13[%dma_start3A_308, %dma_start3A_317, %dma_start3A_318] : memref<4x8x1024xf32, #tpu.memory_space<vmem>> -> memref<1x8x1024xf32, #tpu.memory_space<vmem>>
      %dma_start3A_320 = tpu.memref_squeeze %dma_start3A_319 : memref<1x8x1024xf32, #tpu.memory_space<vmem>> -> memref<8x1024xf32, #tpu.memory_space<vmem>>
      %dma_start3A_321 = arith.constant 0 : i32
      %dma_start3A_322 = arith.constant 0 : i32
      %dma_start3A_323 = tpu.memref_slice %arg14[%arg1, %dma_start3A_307, %dma_start3A_321, %dma_start3A_322] : memref<16x2x8x1024xf32, #tpu.memory_space<vmem_shared>> -> memref<1x1x8x1024xf32, #tpu.memory_space<vmem_shared>>
      %dma_start3A_324 = tpu.memref_squeeze %dma_start3A_323 : memref<1x1x8x1024xf32, #tpu.memory_space<vmem_shared>> -> memref<8x1024xf32, #tpu.memory_space<vmem_shared>>
      tpu.enqueue_dma source(%dma_start3A_324 : memref<8x1024xf32, #tpu.memory_space<vmem_shared>>) target(%dma_start3A_320 : memref<8x1024xf32, #tpu.memory_space<vmem>>) target_semaphore(%arg22 : memref<!tpu.dma_semaphore, #tpu.memory_space<semaphore_mem>>)
      %dma_wait3A_325 = arith.constant 1 : i32
      %dma_wait3A_326 = arith.constant 0 : i32
      %dma_wait3A_327 = arith.constant 0 : i32
      %dma_wait3A_328 = tpu.memref_slice %arg15[%dma_wait3A_325, %dma_wait3A_326, %dma_wait3A_327] : memref<2x8x1024xf32, #tpu.memory_space<vmem>> -> memref<1x8x1024xf32, #tpu.memory_space<vmem>>
      %dma_wait3A_329 = tpu.memref_squeeze %dma_wait3A_328 : memref<1x8x1024xf32, #tpu.memory_space<vmem>> -> memref<8x1024xf32, #tpu.memory_space<vmem>>
      %dma_wait3A_330 = arith.constant 0 : i32
      %dma_wait3A_331 = arith.constant 0 : i32
      %dma_wait3A_332 = tpu.memref_slice %arg2[%dma_wait3A_330, %dma_wait3A_331] : memref<32768x1024xf32, #tpu.memory_space<hbm>> -> memref<8x1024xf32, #tpu.memory_space<hbm>>
      %dma_wait3A_333 = arith.constant 0 : i32
      %dma_wait3A_334 = arith.constant 0 : i32
      %dma_wait3A_335 = tpu.memref_slice %arg15[%dma_wait3A_325, %dma_wait3A_333, %dma_wait3A_334] : memref<2x8x1024xf32, #tpu.memory_space<vmem>> -> memref<1x8x1024xf32, #tpu.memory_space<vmem>>
      %dma_wait3A_336 = tpu.memref_squeeze %dma_wait3A_335 : memref<1x8x1024xf32, #tpu.memory_space<vmem>> -> memref<8x1024xf32, #tpu.memory_space<vmem>>
      %dma_wait3A_337 = arith.constant 0 : i32
      %dma_wait3A_338 = arith.constant 0 : i32
      %dma_wait3A_339 = tpu.memref_slice %arg2[%dma_wait3A_337, %dma_wait3A_338] : memref<32768x1024xf32, #tpu.memory_space<hbm>> -> memref<8x1024xf32, #tpu.memory_space<hbm>>
      tpu.wait_dma2 semaphore(%arg19 : memref<!tpu.dma_semaphore, #tpu.memory_space<semaphore_mem>>) src(%dma_wait3A_339 : memref<8x1024xf32, #tpu.memory_space<hbm>>) dst(%dma_wait3A_336 : memref<8x1024xf32, #tpu.memory_space<vmem>>)
      %dma_wait3A_340 = arith.constant 1 : i32
      %dma_wait3A_341 = arith.constant 0 : i32
      %dma_wait3A_342 = arith.constant 0 : i32
      %dma_wait3A_343 = tpu.memref_slice %arg16[%dma_wait3A_340, %dma_wait3A_341, %dma_wait3A_342] : memref<2x8x1024xf32, #tpu.memory_space<vmem>> -> memref<1x8x1024xf32, #tpu.memory_space<vmem>>
      %dma_wait3A_344 = tpu.memref_squeeze %dma_wait3A_343 : memref<1x8x1024xf32, #tpu.memory_space<vmem>> -> memref<8x1024xf32, #tpu.memory_space<vmem>>
      %dma_wait3A_345 = arith.constant 0 : i32
      %dma_wait3A_346 = arith.constant 0 : i32
      %dma_wait3A_347 = tpu.memref_slice %arg2[%dma_wait3A_345, %dma_wait3A_346] : memref<32768x1024xf32, #tpu.memory_space<hbm>> -> memref<8x1024xf32, #tpu.memory_space<hbm>>
      %dma_wait3A_348 = arith.constant 0 : i32
      %dma_wait3A_349 = arith.constant 0 : i32
      %dma_wait3A_350 = tpu.memref_slice %arg16[%dma_wait3A_340, %dma_wait3A_348, %dma_wait3A_349] : memref<2x8x1024xf32, #tpu.memory_space<vmem>> -> memref<1x8x1024xf32, #tpu.memory_space<vmem>>
      %dma_wait3A_351 = tpu.memref_squeeze %dma_wait3A_350 : memref<1x8x1024xf32, #tpu.memory_space<vmem>> -> memref<8x1024xf32, #tpu.memory_space<vmem>>
      %dma_wait3A_352 = arith.constant 0 : i32
      %dma_wait3A_353 = arith.constant 0 : i32
      %dma_wait3A_354 = tpu.memref_slice %arg2[%dma_wait3A_352, %dma_wait3A_353] : memref<32768x1024xf32, #tpu.memory_space<hbm>> -> memref<8x1024xf32, #tpu.memory_space<hbm>>
      tpu.wait_dma2 semaphore(%arg19 : memref<!tpu.dma_semaphore, #tpu.memory_space<semaphore_mem>>) src(%dma_wait3A_354 : memref<8x1024xf32, #tpu.memory_space<hbm>>) dst(%dma_wait3A_351 : memref<8x1024xf32, #tpu.memory_space<vmem>>)
      %dma_wait3A_355 = arith.constant 1 : i32
      %dma_wait3A_356 = arith.constant 0 : i32
      %dma_wait3A_357 = arith.constant 0 : i32
      %dma_wait3A_358 = tpu.memref_slice %arg17[%dma_wait3A_355, %dma_wait3A_356, %dma_wait3A_357] : memref<2x8x1024xf32, #tpu.memory_space<vmem>> -> memref<1x8x1024xf32, #tpu.memory_space<vmem>>
      %dma_wait3A_359 = tpu.memref_squeeze %dma_wait3A_358 : memref<1x8x1024xf32, #tpu.memory_space<vmem>> -> memref<8x1024xf32, #tpu.memory_space<vmem>>
      %dma_wait3A_360 = arith.constant 0 : i32
      %dma_wait3A_361 = arith.constant 0 : i32
      %dma_wait3A_362 = tpu.memref_slice %arg2[%dma_wait3A_360, %dma_wait3A_361] : memref<32768x1024xf32, #tpu.memory_space<hbm>> -> memref<8x1024xf32, #tpu.memory_space<hbm>>
      %dma_wait3A_363 = arith.constant 0 : i32
      %dma_wait3A_364 = arith.constant 0 : i32
      %dma_wait3A_365 = tpu.memref_slice %arg17[%dma_wait3A_355, %dma_wait3A_363, %dma_wait3A_364] : memref<2x8x1024xf32, #tpu.memory_space<vmem>> -> memref<1x8x1024xf32, #tpu.memory_space<vmem>>
      %dma_wait3A_366 = tpu.memref_squeeze %dma_wait3A_365 : memref<1x8x1024xf32, #tpu.memory_space<vmem>> -> memref<8x1024xf32, #tpu.memory_space<vmem>>
      %dma_wait3A_367 = arith.constant 0 : i32
      %dma_wait3A_368 = arith.constant 0 : i32
      %dma_wait3A_369 = tpu.memref_slice %arg2[%dma_wait3A_367, %dma_wait3A_368] : memref<32768x1024xf32, #tpu.memory_space<hbm>> -> memref<8x1024xf32, #tpu.memory_space<hbm>>
      tpu.wait_dma2 semaphore(%arg19 : memref<!tpu.dma_semaphore, #tpu.memory_space<semaphore_mem>>) src(%dma_wait3A_369 : memref<8x1024xf32, #tpu.memory_space<hbm>>) dst(%dma_wait3A_366 : memref<8x1024xf32, #tpu.memory_space<vmem>>)
      %dma_wait3A_370 = arith.constant 1 : i32
      %dma_wait3A_371 = arith.constant 1 : i32
      %dma_wait3A_372 = arith.constant 0 : i32
      %dma_wait3A_373 = arith.constant 0 : i32
      %dma_wait3A_374 = tpu.memref_slice %arg13[%dma_wait3A_371, %dma_wait3A_372, %dma_wait3A_373] : memref<4x8x1024xf32, #tpu.memory_space<vmem>> -> memref<1x8x1024xf32, #tpu.memory_space<vmem>>
      %dma_wait3A_375 = tpu.memref_squeeze %dma_wait3A_374 : memref<1x8x1024xf32, #tpu.memory_space<vmem>> -> memref<8x1024xf32, #tpu.memory_space<vmem>>
      %dma_wait3A_376 = arith.constant 0 : i32
      %dma_wait3A_377 = arith.constant 0 : i32
      %dma_wait3A_378 = tpu.memref_slice %arg14[%arg1, %dma_wait3A_370, %dma_wait3A_376, %dma_wait3A_377] : memref<16x2x8x1024xf32, #tpu.memory_space<vmem_shared>> -> memref<1x1x8x1024xf32, #tpu.memory_space<vmem_shared>>
      %dma_wait3A_379 = tpu.memref_squeeze %dma_wait3A_378 : memref<1x1x8x1024xf32, #tpu.memory_space<vmem_shared>> -> memref<8x1024xf32, #tpu.memory_space<vmem_shared>>
      %dma_wait3A_380 = arith.constant 0 : i32
      %dma_wait3A_381 = arith.constant 0 : i32
      %dma_wait3A_382 = tpu.memref_slice %arg13[%dma_wait3A_371, %dma_wait3A_380, %dma_wait3A_381] : memref<4x8x1024xf32, #tpu.memory_space<vmem>> -> memref<1x8x1024xf32, #tpu.memory_space<vmem>>
      %dma_wait3A_383 = tpu.memref_squeeze %dma_wait3A_382 : memref<1x8x1024xf32, #tpu.memory_space<vmem>> -> memref<8x1024xf32, #tpu.memory_space<vmem>>
      %dma_wait3A_384 = arith.constant 0 : i32
      %dma_wait3A_385 = arith.constant 0 : i32
      %dma_wait3A_386 = tpu.memref_slice %arg14[%arg1, %dma_wait3A_370, %dma_wait3A_384, %dma_wait3A_385] : memref<16x2x8x1024xf32, #tpu.memory_space<vmem_shared>> -> memref<1x1x8x1024xf32, #tpu.memory_space<vmem_shared>>
      %dma_wait3A_387 = tpu.memref_squeeze %dma_wait3A_386 : memref<1x1x8x1024xf32, #tpu.memory_space<vmem_shared>> -> memref<8x1024xf32, #tpu.memory_space<vmem_shared>>
      tpu.wait_dma2 semaphore(%arg22 : memref<!tpu.dma_semaphore, #tpu.memory_space<semaphore_mem>>) src(%dma_wait3A_387 : memref<8x1024xf32, #tpu.memory_space<vmem_shared>>) dst(%dma_wait3A_383 : memref<8x1024xf32, #tpu.memory_space<vmem>>)
      %parallel_loop3A_388 = arith.constant 0 : i32
      %parallel_loop3A_389 = arith.constant 512 : i32
      %parallel_loop3A_390 = arith.constant 1 : i32
      scf.for %parallel_loop3A_697 = %parallel_loop3A_388 to %parallel_loop3A_389 step %parallel_loop3A_390  : i32 {
        %parallel_loop3A_698 = arith.constant 6 : i32
        %parallel_loop3A_699 = arith.shrsi %parallel_loop3A_697, %parallel_loop3A_698 : i32
        %parallel_loop3A_700 = arith.constant 63 : i32
        %parallel_loop3A_701 = arith.andi %parallel_loop3A_697, %parallel_loop3A_700 : i32
        %parallel_loop3A_702 = arith.constant 16 : i32
        %parallel_loop3A_703 = arith.muli %parallel_loop3A_701, %parallel_loop3A_702 : i32
        %parallel_loop3A_704 = arith.constant 1 : i32
        %parallel_loop3A_705 = arith.index_cast %parallel_loop3A_704 : i32 to index
        %parallel_loop3A_706 = arith.index_cast %parallel_loop3A_699 : i32 to index
        %parallel_loop3A_707 = arith.index_cast %parallel_loop3A_703 : i32 to index
        %parallel_loop3A_708 = tpu.vector_load %arg15[%parallel_loop3A_705, %parallel_loop3A_706, %parallel_loop3A_707] {strides = array<i32>} : memref<2x8x1024xf32, #tpu.memory_space<vmem>>, vector<1x1x16xf32>,
        %parallel_loop3A_709 = vector.shape_cast %parallel_loop3A_708 : vector<1x1x16xf32> to vector<16xf32>
        %parallel_loop3A_710 = arith.constant 1 : i32
        %parallel_loop3A_711 = arith.index_cast %parallel_loop3A_710 : i32 to index
        %parallel_loop3A_712 = arith.index_cast %parallel_loop3A_699 : i32 to index
        %parallel_loop3A_713 = arith.index_cast %parallel_loop3A_703 : i32 to index
        %parallel_loop3A_714 = tpu.vector_load %arg16[%parallel_loop3A_711, %parallel_loop3A_712, %parallel_loop3A_713] {strides = array<i32>} : memref<2x8x1024xf32, #tpu.memory_space<vmem>>, vector<1x1x16xf32>,
        %parallel_loop3A_715 = vector.shape_cast %parallel_loop3A_714 : vector<1x1x16xf32> to vector<16xf32>
        %parallel_loop3A_716 = arith.addf %parallel_loop3A_709, %parallel_loop3A_715 : vector<16xf32>
        %parallel_loop3A_717 = arith.constant 1 : i32
        %parallel_loop3A_718 = arith.index_cast %parallel_loop3A_717 : i32 to index
        %parallel_loop3A_719 = arith.index_cast %parallel_loop3A_699 : i32 to index
        %parallel_loop3A_720 = arith.index_cast %parallel_loop3A_703 : i32 to index
        %parallel_loop3A_721 = tpu.vector_load %arg17[%parallel_loop3A_718, %parallel_loop3A_719, %parallel_loop3A_720] {strides = array<i32>} : memref<2x8x1024xf32, #tpu.memory_space<vmem>>, vector<1x1x16xf32>,
        %parallel_loop3A_722 = vector.shape_cast %parallel_loop3A_721 : vector<1x1x16xf32> to vector<16xf32>
        %parallel_loop3A_723 = arith.addf %parallel_loop3A_716, %parallel_loop3A_722 : vector<16xf32>
        %parallel_loop3A_724 = arith.constant 1 : i32
        %parallel_loop3A_725 = arith.index_cast %parallel_loop3A_724 : i32 to index
        %parallel_loop3A_726 = arith.index_cast %parallel_loop3A_699 : i32 to index
        %parallel_loop3A_727 = arith.index_cast %parallel_loop3A_703 : i32 to index
        %parallel_loop3A_728 = tpu.vector_load %arg13[%parallel_loop3A_725, %parallel_loop3A_726, %parallel_loop3A_727] {strides = array<i32>} : memref<4x8x1024xf32, #tpu.memory_space<vmem>>, vector<1x1x16xf32>,
        %parallel_loop3A_729 = vector.shape_cast %parallel_loop3A_728 : vector<1x1x16xf32> to vector<16xf32>
        %parallel_loop3A_730 = vector.shape_cast %parallel_loop3A_723 : vector<16xf32> to vector<1x1x16xf32>
        tpu.vector_store %arg13[%parallel_loop3A_725, %parallel_loop3A_726, %parallel_loop3A_727], %parallel_loop3A_730 {add = true, strides = array<i32>} : memref<4x8x1024xf32, #tpu.memory_space<vmem>>, vector<1x1x16xf32>,
      } {sc.loop_unroll_factor = 8 : i64, sc.parallel_access}
      %mul3A_391 = arith.constant 8 : i32
      %mul3A_392 = arith.muli %add3A_252, %mul3A_391 : i32
      %add3A_393 = arith.addi %mul3A_2, %mul3A_392 : i32
      %dma_start3A_394 = arith.constant 1 : i32
      %dma_start3A_395 = arith.constant 0 : i32
      %dma_start3A_396 = arith.constant 0 : i32
      %dma_start3A_397 = tpu.memref_slice %arg13[%dma_start3A_394, %dma_start3A_395, %dma_start3A_396] : memref<4x8x1024xf32, #tpu.memory_space<vmem>> -> memref<1x8x1024xf32, #tpu.memory_space<vmem>>
      %dma_start3A_398 = tpu.memref_squeeze %dma_start3A_397 : memref<1x8x1024xf32, #tpu.memory_space<vmem>> -> memref<8x1024xf32, #tpu.memory_space<vmem>>
      %dma_start3A_399 = arith.constant 0 : i32
      %dma_start3A_400 = tpu.memref_slice %arg9[%add3A_393, %dma_start3A_399] : memref<32768x1024xf32, #tpu.memory_space<hbm>> -> memref<8x1024xf32, #tpu.memory_space<hbm>>
      %dma_start3A_401 = arith.constant 0 : i32
      %dma_start3A_402 = tpu.memref_slice %arg9[%add3A_393, %dma_start3A_401] : memref<32768x1024xf32, #tpu.memory_space<hbm>> -> memref<8x1024xf32, #tpu.memory_space<hbm>>
      %dma_start3A_403 = arith.constant 0 : i32
      %dma_start3A_404 = arith.constant 0 : i32
      %dma_start3A_405 = tpu.memref_slice %arg13[%dma_start3A_394, %dma_start3A_403, %dma_start3A_404] : memref<4x8x1024xf32, #tpu.memory_space<vmem>> -> memref<1x8x1024xf32, #tpu.memory_space<vmem>>
      %dma_start3A_406 = tpu.memref_squeeze %dma_start3A_405 : memref<1x8x1024xf32, #tpu.memory_space<vmem>> -> memref<8x1024xf32, #tpu.memory_space<vmem>>
      tpu.enqueue_dma source(%dma_start3A_406 : memref<8x1024xf32, #tpu.memory_space<vmem>>) target(%dma_start3A_402 : memref<8x1024xf32, #tpu.memory_space<hbm>>) target_semaphore(%arg24 : memref<!tpu.dma_semaphore, #tpu.memory_space<semaphore_mem>>)
      %mul3A_407 = arith.constant 4 : i32
      %mul3A_408 = arith.muli %mul3A_407, %scan3A_93 : i32
      %add3A_409 = arith.constant 2 : i32
      %add3A_410 = arith.addi %mul3A_408, %add3A_409 : i32
      %ge3A_411 = arith.constant 1 : i32
      %ge3A_412 = arith.cmpi sge, %scan3A_93, %ge3A_411 : i32
      %convert_element_type3A_413 = arith.extui %ge3A_412 : i1 to i32
      %cond3A_414 = arith.constant 0 : i32
      %cond3A_415 = arith.cmpi ne, %convert_element_type3A_413, %cond3A_414 : i32
      scf.if %cond3A_415 {
        %dma_wait3A_697 = arith.constant 0 : i32
        %dma_wait3A_698 = arith.constant 0 : i32
        %dma_wait3A_699 = arith.constant 0 : i32
        %dma_wait3A_700 = tpu.memref_slice %arg13[%dma_wait3A_697, %dma_wait3A_698, %dma_wait3A_699] : memref<4x8x1024xf32, #tpu.memory_space<vmem>> -> memref<1x8x1024xf32, #tpu.memory_space<vmem>>
        %dma_wait3A_701 = tpu.memref_squeeze %dma_wait3A_700 : memref<1x8x1024xf32, #tpu.memory_space<vmem>> -> memref<8x1024xf32, #tpu.memory_space<vmem>>
        %dma_wait3A_702 = arith.constant 0 : i32
        %dma_wait3A_703 = arith.constant 0 : i32
        %dma_wait3A_704 = tpu.memref_slice %arg9[%dma_wait3A_702, %dma_wait3A_703] : memref<32768x1024xf32, #tpu.memory_space<hbm>> -> memref<8x1024xf32, #tpu.memory_space<hbm>>
        %dma_wait3A_705 = arith.constant 0 : i32
        %dma_wait3A_706 = arith.constant 0 : i32
        %dma_wait3A_707 = tpu.memref_slice %arg9[%dma_wait3A_705, %dma_wait3A_706] : memref<32768x1024xf32, #tpu.memory_space<hbm>> -> memref<8x1024xf32, #tpu.memory_space<hbm>>
        %dma_wait3A_708 = arith.constant 0 : i32
        %dma_wait3A_709 = arith.constant 0 : i32
        %dma_wait3A_710 = tpu.memref_slice %arg13[%dma_wait3A_697, %dma_wait3A_708, %dma_wait3A_709] : memref<4x8x1024xf32, #tpu.memory_space<vmem>> -> memref<1x8x1024xf32, #tpu.memory_space<vmem>>
        %dma_wait3A_711 = tpu.memref_squeeze %dma_wait3A_710 : memref<1x8x1024xf32, #tpu.memory_space<vmem>> -> memref<8x1024xf32, #tpu.memory_space<vmem>>
        tpu.wait_dma2 semaphore(%arg26 : memref<!tpu.dma_semaphore, #tpu.memory_space<semaphore_mem>>) src(%dma_wait3A_711 : memref<8x1024xf32, #tpu.memory_space<vmem>>) dst(%dma_wait3A_707 : memref<8x1024xf32, #tpu.memory_space<hbm>>)
      } else {
      }
      %add3A_416 = arith.constant 1 : i32
      %add3A_417 = arith.addi %add3A_410, %add3A_416 : i32
      %mul3A_418 = arith.constant 8 : i32
      %mul3A_419 = arith.muli %add3A_417, %mul3A_418 : i32
      %add3A_420 = arith.addi %mul3A_2, %mul3A_419 : i32
      %mul3A_421 = arith.constant 8 : i32
      %mul3A_422 = arith.muli %add3A_417, %mul3A_421 : i32
      %dma_start3A_423 = arith.constant 1 : i32
      %dma_start3A_424 = arith.constant 0 : i32
      %dma_start3A_425 = arith.constant 0 : i32
      %dma_start3A_426 = tpu.memref_slice %arg14[%arg1, %dma_start3A_423, %dma_start3A_424, %dma_start3A_425] : memref<16x2x8x1024xf32, #tpu.memory_space<vmem_shared>> -> memref<1x1x8x1024xf32, #tpu.memory_space<vmem_shared>>
      %dma_start3A_427 = tpu.memref_squeeze %dma_start3A_426 : memref<1x1x8x1024xf32, #tpu.memory_space<vmem_shared>> -> memref<8x1024xf32, #tpu.memory_space<vmem_shared>>
      %dma_start3A_428 = arith.constant 0 : i32
      %dma_start3A_429 = tpu.memref_slice %arg2[%add3A_420, %dma_start3A_428] : memref<32768x1024xf32, #tpu.memory_space<hbm>> -> memref<8x1024xf32, #tpu.memory_space<hbm>>
      tpu.enqueue_dma source(%dma_start3A_429 : memref<8x1024xf32, #tpu.memory_space<hbm>>) target(%dma_start3A_427 : memref<8x1024xf32, #tpu.memory_space<vmem_shared>>) target_semaphore(%arg21 : memref<!tpu.dma_semaphore, #tpu.memory_space<semaphore_mem>>)
      %dma_start3A_430 = arith.constant 1 : i32
      %dma_start3A_431 = arith.constant 0 : i32
      %dma_start3A_432 = arith.constant 0 : i32
      %dma_start3A_433 = tpu.memref_slice %arg15[%dma_start3A_430, %dma_start3A_431, %dma_start3A_432] : memref<2x8x1024xf32, #tpu.memory_space<vmem>> -> memref<1x8x1024xf32, #tpu.memory_space<vmem>>
      %dma_start3A_434 = tpu.memref_squeeze %dma_start3A_433 : memref<1x8x1024xf32, #tpu.memory_space<vmem>> -> memref<8x1024xf32, #tpu.memory_space<vmem>>
      %dma_start3A_435 = tpu.memref_slice %arg10[%mul3A_422] : memref<1024xi32, #tpu.memory_space<vmem>> -> memref<8xi32, #tpu.memory_space<vmem>>
      %dma_start3A_436 = arith.constant 0 : i32
      %dma_start3A_437 = arith.constant 0 : i32
      %dma_start3A_438 = tpu.memref_slice %arg6[%dma_start3A_436, %dma_start3A_437] : memref<8192x1024xf32, #tpu.memory_space<hbm>> -> memref<8192x1024xf32, #tpu.memory_space<hbm>>
      tpu.enqueue_indirect_dma source(%dma_start3A_438 : memref<8192x1024xf32, #tpu.memory_space<hbm>>) target(%dma_start3A_434 : memref<8x1024xf32, #tpu.memory_space<vmem>>) offsets(%dma_start3A_435 : memref<8xi32, #tpu.memory_space<vmem>>) semaphore(%arg19 : memref<!tpu.dma_semaphore, #tpu.memory_space<semaphore_mem>>)
      %dma_start3A_439 = arith.constant 1 : i32
      %dma_start3A_440 = arith.constant 0 : i32
      %dma_start3A_441 = arith.constant 0 : i32
      %dma_start3A_442 = tpu.memref_slice %arg16[%dma_start3A_439, %dma_start3A_440, %dma_start3A_441] : memref<2x8x1024xf32, #tpu.memory_space<vmem>> -> memref<1x8x1024xf32, #tpu.memory_space<vmem>>
      %dma_start3A_443 = tpu.memref_squeeze %dma_start3A_442 : memref<1x8x1024xf32, #tpu.memory_space<vmem>> -> memref<8x1024xf32, #tpu.memory_space<vmem>>
      %dma_start3A_444 = tpu.memref_slice %arg11[%mul3A_422] : memref<1024xi32, #tpu.memory_space<vmem>> -> memref<8xi32, #tpu.memory_space<vmem>>
      %dma_start3A_445 = arith.constant 0 : i32
      %dma_start3A_446 = arith.constant 0 : i32
      %dma_start3A_447 = tpu.memref_slice %arg7[%dma_start3A_445, %dma_start3A_446] : memref<8192x1024xf32, #tpu.memory_space<hbm>> -> memref<8192x1024xf32, #tpu.memory_space<hbm>>
      tpu.enqueue_indirect_dma source(%dma_start3A_447 : memref<8192x1024xf32, #tpu.memory_space<hbm>>) target(%dma_start3A_443 : memref<8x1024xf32, #tpu.memory_space<vmem>>) offsets(%dma_start3A_444 : memref<8xi32, #tpu.memory_space<vmem>>) semaphore(%arg19 : memref<!tpu.dma_semaphore, #tpu.memory_space<semaphore_mem>>)
      %dma_start3A_448 = arith.constant 1 : i32
      %dma_start3A_449 = arith.constant 0 : i32
      %dma_start3A_450 = arith.constant 0 : i32
      %dma_start3A_451 = tpu.memref_slice %arg17[%dma_start3A_448, %dma_start3A_449, %dma_start3A_450] : memref<2x8x1024xf32, #tpu.memory_space<vmem>> -> memref<1x8x1024xf32, #tpu.memory_space<vmem>>
      %dma_start3A_452 = tpu.memref_squeeze %dma_start3A_451 : memref<1x8x1024xf32, #tpu.memory_space<vmem>> -> memref<8x1024xf32, #tpu.memory_space<vmem>>
      %dma_start3A_453 = tpu.memref_slice %arg12[%mul3A_422] : memref<1024xi32, #tpu.memory_space<vmem>> -> memref<8xi32, #tpu.memory_space<vmem>>
      %dma_start3A_454 = arith.constant 0 : i32
      %dma_start3A_455 = arith.constant 0 : i32
      %dma_start3A_456 = tpu.memref_slice %arg8[%dma_start3A_454, %dma_start3A_455] : memref<8192x1024xf32, #tpu.memory_space<hbm>> -> memref<8192x1024xf32, #tpu.memory_space<hbm>>
      tpu.enqueue_indirect_dma source(%dma_start3A_456 : memref<8192x1024xf32, #tpu.memory_space<hbm>>) target(%dma_start3A_452 : memref<8x1024xf32, #tpu.memory_space<vmem>>) offsets(%dma_start3A_453 : memref<8xi32, #tpu.memory_space<vmem>>) semaphore(%arg19 : memref<!tpu.dma_semaphore, #tpu.memory_space<semaphore_mem>>)
      %dma_wait3A_457 = arith.constant 0 : i32
      %dma_wait3A_458 = arith.constant 0 : i32
      %dma_wait3A_459 = arith.constant 0 : i32
      %dma_wait3A_460 = tpu.memref_slice %arg14[%arg1, %dma_wait3A_457, %dma_wait3A_458, %dma_wait3A_459] : memref<16x2x8x1024xf32, #tpu.memory_space<vmem_shared>> -> memref<1x1x8x1024xf32, #tpu.memory_space<vmem_shared>>
      %dma_wait3A_461 = tpu.memref_squeeze %dma_wait3A_460 : memref<1x1x8x1024xf32, #tpu.memory_space<vmem_shared>> -> memref<8x1024xf32, #tpu.memory_space<vmem_shared>>
      %dma_wait3A_462 = arith.constant 0 : i32
      %dma_wait3A_463 = arith.constant 0 : i32
      %dma_wait3A_464 = tpu.memref_slice %arg2[%dma_wait3A_462, %dma_wait3A_463] : memref<32768x1024xf32, #tpu.memory_space<hbm>> -> memref<8x1024xf32, #tpu.memory_space<hbm>>
      tpu.wait_dma2 semaphore(%arg20 : memref<!tpu.dma_semaphore, #tpu.memory_space<semaphore_mem>>) src(%dma_wait3A_464 : memref<8x1024xf32, #tpu.memory_space<hbm>>) dst(%dma_wait3A_461 : memref<8x1024xf32, #tpu.memory_space<vmem_shared>>)
      %dma_start3A_465 = arith.constant 0 : i32
      %dma_start3A_466 = arith.constant 2 : i32
      %dma_start3A_467 = arith.constant 0 : i32
      %dma_start3A_468 = arith.constant 0 : i32
      %dma_start3A_469 = tpu.memref_slice %arg13[%dma_start3A_466, %dma_start3A_467, %dma_start3A_468] : memref<4x8x1024xf32, #tpu.memory_space<vmem>> -> memref<1x8x1024xf32, #tpu.memory_space<vmem>>
      %dma_start3A_470 = tpu.memref_squeeze %dma_start3A_469 : memref<1x8x1024xf32, #tpu.memory_space<vmem>> -> memref<8x1024xf32, #tpu.memory_space<vmem>>
      %dma_start3A_471 = arith.constant 0 : i32
      %dma_start3A_472 = arith.constant 0 : i32
      %dma_start3A_473 = tpu.memref_slice %arg14[%arg1, %dma_start3A_465, %dma_start3A_471, %dma_start3A_472] : memref<16x2x8x1024xf32, #tpu.memory_space<vmem_shared>> -> memref<1x1x8x1024xf32, #tpu.memory_space<vmem_shared>>
      %dma_start3A_474 = tpu.memref_squeeze %dma_start3A_473 : memref<1x1x8x1024xf32, #tpu.memory_space<vmem_shared>> -> memref<8x1024xf32, #tpu.memory_space<vmem_shared>>
      %dma_start3A_475 = arith.constant 0 : i32
      %dma_start3A_476 = arith.constant 0 : i32
      %dma_start3A_477 = tpu.memref_slice %arg13[%dma_start3A_466, %dma_start3A_475, %dma_start3A_476] : memref<4x8x1024xf32, #tpu.memory_space<vmem>> -> memref<1x8x1024xf32, #tpu.memory_space<vmem>>
      %dma_start3A_478 = tpu.memref_squeeze %dma_start3A_477 : memref<1x8x1024xf32, #tpu.memory_space<vmem>> -> memref<8x1024xf32, #tpu.memory_space<vmem>>
      %dma_start3A_479 = arith.constant 0 : i32
      %dma_start3A_480 = arith.constant 0 : i32
      %dma_start3A_481 = tpu.memref_slice %arg14[%arg1, %dma_start3A_465, %dma_start3A_479, %dma_start3A_480] : memref<16x2x8x1024xf32, #tpu.memory_space<vmem_shared>> -> memref<1x1x8x1024xf32, #tpu.memory_space<vmem_shared>>
      %dma_start3A_482 = tpu.memref_squeeze %dma_start3A_481 : memref<1x1x8x1024xf32, #tpu.memory_space<vmem_shared>> -> memref<8x1024xf32, #tpu.memory_space<vmem_shared>>
      tpu.enqueue_dma source(%dma_start3A_482 : memref<8x1024xf32, #tpu.memory_space<vmem_shared>>) target(%dma_start3A_478 : memref<8x1024xf32, #tpu.memory_space<vmem>>) target_semaphore(%arg22 : memref<!tpu.dma_semaphore, #tpu.memory_space<semaphore_mem>>)
      %dma_wait3A_483 = arith.constant 0 : i32
      %dma_wait3A_484 = arith.constant 0 : i32
      %dma_wait3A_485 = arith.constant 0 : i32
      %dma_wait3A_486 = tpu.memref_slice %arg15[%dma_wait3A_483, %dma_wait3A_484, %dma_wait3A_485] : memref<2x8x1024xf32, #tpu.memory_space<vmem>> -> memref<1x8x1024xf32, #tpu.memory_space<vmem>>
      %dma_wait3A_487 = tpu.memref_squeeze %dma_wait3A_486 : memref<1x8x1024xf32, #tpu.memory_space<vmem>> -> memref<8x1024xf32, #tpu.memory_space<vmem>>
      %dma_wait3A_488 = arith.constant 0 : i32
      %dma_wait3A_489 = arith.constant 0 : i32
      %dma_wait3A_490 = tpu.memref_slice %arg2[%dma_wait3A_488, %dma_wait3A_489] : memref<32768x1024xf32, #tpu.memory_space<hbm>> -> memref<8x1024xf32, #tpu.memory_space<hbm>>
      %dma_wait3A_491 = arith.constant 0 : i32
      %dma_wait3A_492 = arith.constant 0 : i32
      %dma_wait3A_493 = tpu.memref_slice %arg15[%dma_wait3A_483, %dma_wait3A_491, %dma_wait3A_492] : memref<2x8x1024xf32, #tpu.memory_space<vmem>> -> memref<1x8x1024xf32, #tpu.memory_space<vmem>>
      %dma_wait3A_494 = tpu.memref_squeeze %dma_wait3A_493 : memref<1x8x1024xf32, #tpu.memory_space<vmem>> -> memref<8x1024xf32, #tpu.memory_space<vmem>>
      %dma_wait3A_495 = arith.constant 0 : i32
      %dma_wait3A_496 = arith.constant 0 : i32
      %dma_wait3A_497 = tpu.memref_slice %arg2[%dma_wait3A_495, %dma_wait3A_496] : memref<32768x1024xf32, #tpu.memory_space<hbm>> -> memref<8x1024xf32, #tpu.memory_space<hbm>>
      tpu.wait_dma2 semaphore(%arg18 : memref<!tpu.dma_semaphore, #tpu.memory_space<semaphore_mem>>) src(%dma_wait3A_497 : memref<8x1024xf32, #tpu.memory_space<hbm>>) dst(%dma_wait3A_494 : memref<8x1024xf32, #tpu.memory_space<vmem>>)
      %dma_wait3A_498 = arith.constant 0 : i32
      %dma_wait3A_499 = arith.constant 0 : i32
      %dma_wait3A_500 = arith.constant 0 : i32
      %dma_wait3A_501 = tpu.memref_slice %arg16[%dma_wait3A_498, %dma_wait3A_499, %dma_wait3A_500] : memref<2x8x1024xf32, #tpu.memory_space<vmem>> -> memref<1x8x1024xf32, #tpu.memory_space<vmem>>
      %dma_wait3A_502 = tpu.memref_squeeze %dma_wait3A_501 : memref<1x8x1024xf32, #tpu.memory_space<vmem>> -> memref<8x1024xf32, #tpu.memory_space<vmem>>
      %dma_wait3A_503 = arith.constant 0 : i32
      %dma_wait3A_504 = arith.constant 0 : i32
      %dma_wait3A_505 = tpu.memref_slice %arg2[%dma_wait3A_503, %dma_wait3A_504] : memref<32768x1024xf32, #tpu.memory_space<hbm>> -> memref<8x1024xf32, #tpu.memory_space<hbm>>
      %dma_wait3A_506 = arith.constant 0 : i32
      %dma_wait3A_507 = arith.constant 0 : i32
      %dma_wait3A_508 = tpu.memref_slice %arg16[%dma_wait3A_498, %dma_wait3A_506, %dma_wait3A_507] : memref<2x8x1024xf32, #tpu.memory_space<vmem>> -> memref<1x8x1024xf32, #tpu.memory_space<vmem>>
      %dma_wait3A_509 = tpu.memref_squeeze %dma_wait3A_508 : memref<1x8x1024xf32, #tpu.memory_space<vmem>> -> memref<8x1024xf32, #tpu.memory_space<vmem>>
      %dma_wait3A_510 = arith.constant 0 : i32
      %dma_wait3A_511 = arith.constant 0 : i32
      %dma_wait3A_512 = tpu.memref_slice %arg2[%dma_wait3A_510, %dma_wait3A_511] : memref<32768x1024xf32, #tpu.memory_space<hbm>> -> memref<8x1024xf32, #tpu.memory_space<hbm>>
      tpu.wait_dma2 semaphore(%arg18 : memref<!tpu.dma_semaphore, #tpu.memory_space<semaphore_mem>>) src(%dma_wait3A_512 : memref<8x1024xf32, #tpu.memory_space<hbm>>) dst(%dma_wait3A_509 : memref<8x1024xf32, #tpu.memory_space<vmem>>)
      %dma_wait3A_513 = arith.constant 0 : i32
      %dma_wait3A_514 = arith.constant 0 : i32
      %dma_wait3A_515 = arith.constant 0 : i32
      %dma_wait3A_516 = tpu.memref_slice %arg17[%dma_wait3A_513, %dma_wait3A_514, %dma_wait3A_515] : memref<2x8x1024xf32, #tpu.memory_space<vmem>> -> memref<1x8x1024xf32, #tpu.memory_space<vmem>>
      %dma_wait3A_517 = tpu.memref_squeeze %dma_wait3A_516 : memref<1x8x1024xf32, #tpu.memory_space<vmem>> -> memref<8x1024xf32, #tpu.memory_space<vmem>>
      %dma_wait3A_518 = arith.constant 0 : i32
      %dma_wait3A_519 = arith.constant 0 : i32
      %dma_wait3A_520 = tpu.memref_slice %arg2[%dma_wait3A_518, %dma_wait3A_519] : memref<32768x1024xf32, #tpu.memory_space<hbm>> -> memref<8x1024xf32, #tpu.memory_space<hbm>>
      %dma_wait3A_521 = arith.constant 0 : i32
      %dma_wait3A_522 = arith.constant 0 : i32
      %dma_wait3A_523 = tpu.memref_slice %arg17[%dma_wait3A_513, %dma_wait3A_521, %dma_wait3A_522] : memref<2x8x1024xf32, #tpu.memory_space<vmem>> -> memref<1x8x1024xf32, #tpu.memory_space<vmem>>
      %dma_wait3A_524 = tpu.memref_squeeze %dma_wait3A_523 : memref<1x8x1024xf32, #tpu.memory_space<vmem>> -> memref<8x1024xf32, #tpu.memory_space<vmem>>
      %dma_wait3A_525 = arith.constant 0 : i32
      %dma_wait3A_526 = arith.constant 0 : i32
      %dma_wait3A_527 = tpu.memref_slice %arg2[%dma_wait3A_525, %dma_wait3A_526] : memref<32768x1024xf32, #tpu.memory_space<hbm>> -> memref<8x1024xf32, #tpu.memory_space<hbm>>
      tpu.wait_dma2 semaphore(%arg18 : memref<!tpu.dma_semaphore, #tpu.memory_space<semaphore_mem>>) src(%dma_wait3A_527 : memref<8x1024xf32, #tpu.memory_space<hbm>>) dst(%dma_wait3A_524 : memref<8x1024xf32, #tpu.memory_space<vmem>>)
      %dma_wait3A_528 = arith.constant 0 : i32
      %dma_wait3A_529 = arith.constant 2 : i32
      %dma_wait3A_530 = arith.constant 0 : i32
      %dma_wait3A_531 = arith.constant 0 : i32
      %dma_wait3A_532 = tpu.memref_slice %arg13[%dma_wait3A_529, %dma_wait3A_530, %dma_wait3A_531] : memref<4x8x1024xf32, #tpu.memory_space<vmem>> -> memref<1x8x1024xf32, #tpu.memory_space<vmem>>
      %dma_wait3A_533 = tpu.memref_squeeze %dma_wait3A_532 : memref<1x8x1024xf32, #tpu.memory_space<vmem>> -> memref<8x1024xf32, #tpu.memory_space<vmem>>
      %dma_wait3A_534 = arith.constant 0 : i32
      %dma_wait3A_535 = arith.constant 0 : i32
      %dma_wait3A_536 = tpu.memref_slice %arg14[%arg1, %dma_wait3A_528, %dma_wait3A_534, %dma_wait3A_535] : memref<16x2x8x1024xf32, #tpu.memory_space<vmem_shared>> -> memref<1x1x8x1024xf32, #tpu.memory_space<vmem_shared>>
      %dma_wait3A_537 = tpu.memref_squeeze %dma_wait3A_536 : memref<1x1x8x1024xf32, #tpu.memory_space<vmem_shared>> -> memref<8x1024xf32, #tpu.memory_space<vmem_shared>>
      %dma_wait3A_538 = arith.constant 0 : i32
      %dma_wait3A_539 = arith.constant 0 : i32
      %dma_wait3A_540 = tpu.memref_slice %arg13[%dma_wait3A_529, %dma_wait3A_538, %dma_wait3A_539] : memref<4x8x1024xf32, #tpu.memory_space<vmem>> -> memref<1x8x1024xf32, #tpu.memory_space<vmem>>
      %dma_wait3A_541 = tpu.memref_squeeze %dma_wait3A_540 : memref<1x8x1024xf32, #tpu.memory_space<vmem>> -> memref<8x1024xf32, #tpu.memory_space<vmem>>
      %dma_wait3A_542 = arith.constant 0 : i32
      %dma_wait3A_543 = arith.constant 0 : i32
      %dma_wait3A_544 = tpu.memref_slice %arg14[%arg1, %dma_wait3A_528, %dma_wait3A_542, %dma_wait3A_543] : memref<16x2x8x1024xf32, #tpu.memory_space<vmem_shared>> -> memref<1x1x8x1024xf32, #tpu.memory_space<vmem_shared>>
      %dma_wait3A_545 = tpu.memref_squeeze %dma_wait3A_544 : memref<1x1x8x1024xf32, #tpu.memory_space<vmem_shared>> -> memref<8x1024xf32, #tpu.memory_space<vmem_shared>>
      tpu.wait_dma2 semaphore(%arg22 : memref<!tpu.dma_semaphore, #tpu.memory_space<semaphore_mem>>) src(%dma_wait3A_545 : memref<8x1024xf32, #tpu.memory_space<vmem_shared>>) dst(%dma_wait3A_541 : memref<8x1024xf32, #tpu.memory_space<vmem>>)
      %parallel_loop3A_546 = arith.constant 0 : i32
      %parallel_loop3A_547 = arith.constant 512 : i32
      %parallel_loop3A_548 = arith.constant 1 : i32
      scf.for %parallel_loop3A_697 = %parallel_loop3A_546 to %parallel_loop3A_547 step %parallel_loop3A_548  : i32 {
        %parallel_loop3A_698 = arith.constant 6 : i32
        %parallel_loop3A_699 = arith.shrsi %parallel_loop3A_697, %parallel_loop3A_698 : i32
        %parallel_loop3A_700 = arith.constant 63 : i32
        %parallel_loop3A_701 = arith.andi %parallel_loop3A_697, %parallel_loop3A_700 : i32
        %parallel_loop3A_702 = arith.constant 16 : i32
        %parallel_loop3A_703 = arith.muli %parallel_loop3A_701, %parallel_loop3A_702 : i32
        %parallel_loop3A_704 = arith.constant 0 : i32
        %parallel_loop3A_705 = arith.index_cast %parallel_loop3A_704 : i32 to index
        %parallel_loop3A_706 = arith.index_cast %parallel_loop3A_699 : i32 to index
        %parallel_loop3A_707 = arith.index_cast %parallel_loop3A_703 : i32 to index
        %parallel_loop3A_708 = tpu.vector_load %arg15[%parallel_loop3A_705, %parallel_loop3A_706, %parallel_loop3A_707] {strides = array<i32>} : memref<2x8x1024xf32, #tpu.memory_space<vmem>>, vector<1x1x16xf32>,
        %parallel_loop3A_709 = vector.shape_cast %parallel_loop3A_708 : vector<1x1x16xf32> to vector<16xf32>
        %parallel_loop3A_710 = arith.constant 0 : i32
        %parallel_loop3A_711 = arith.index_cast %parallel_loop3A_710 : i32 to index
        %parallel_loop3A_712 = arith.index_cast %parallel_loop3A_699 : i32 to index
        %parallel_loop3A_713 = arith.index_cast %parallel_loop3A_703 : i32 to index
        %parallel_loop3A_714 = tpu.vector_load %arg16[%parallel_loop3A_711, %parallel_loop3A_712, %parallel_loop3A_713] {strides = array<i32>} : memref<2x8x1024xf32, #tpu.memory_space<vmem>>, vector<1x1x16xf32>,
        %parallel_loop3A_715 = vector.shape_cast %parallel_loop3A_714 : vector<1x1x16xf32> to vector<16xf32>
        %parallel_loop3A_716 = arith.addf %parallel_loop3A_709, %parallel_loop3A_715 : vector<16xf32>
        %parallel_loop3A_717 = arith.constant 0 : i32
        %parallel_loop3A_718 = arith.index_cast %parallel_loop3A_717 : i32 to index
        %parallel_loop3A_719 = arith.index_cast %parallel_loop3A_699 : i32 to index
        %parallel_loop3A_720 = arith.index_cast %parallel_loop3A_703 : i32 to index
        %parallel_loop3A_721 = tpu.vector_load %arg17[%parallel_loop3A_718, %parallel_loop3A_719, %parallel_loop3A_720] {strides = array<i32>} : memref<2x8x1024xf32, #tpu.memory_space<vmem>>, vector<1x1x16xf32>,
        %parallel_loop3A_722 = vector.shape_cast %parallel_loop3A_721 : vector<1x1x16xf32> to vector<16xf32>
        %parallel_loop3A_723 = arith.addf %parallel_loop3A_716, %parallel_loop3A_722 : vector<16xf32>
        %parallel_loop3A_724 = arith.constant 2 : i32
        %parallel_loop3A_725 = arith.index_cast %parallel_loop3A_724 : i32 to index
        %parallel_loop3A_726 = arith.index_cast %parallel_loop3A_699 : i32 to index
        %parallel_loop3A_727 = arith.index_cast %parallel_loop3A_703 : i32 to index
        %parallel_loop3A_728 = tpu.vector_load %arg13[%parallel_loop3A_725, %parallel_loop3A_726, %parallel_loop3A_727] {strides = array<i32>} : memref<4x8x1024xf32, #tpu.memory_space<vmem>>, vector<1x1x16xf32>,
        %parallel_loop3A_729 = vector.shape_cast %parallel_loop3A_728 : vector<1x1x16xf32> to vector<16xf32>
        %parallel_loop3A_730 = vector.shape_cast %parallel_loop3A_723 : vector<16xf32> to vector<1x1x16xf32>
        tpu.vector_store %arg13[%parallel_loop3A_725, %parallel_loop3A_726, %parallel_loop3A_727], %parallel_loop3A_730 {add = true, strides = array<i32>} : memref<4x8x1024xf32, #tpu.memory_space<vmem>>, vector<1x1x16xf32>,
      } {sc.loop_unroll_factor = 8 : i64, sc.parallel_access}
      %mul3A_549 = arith.constant 8 : i32
      %mul3A_550 = arith.muli %add3A_410, %mul3A_549 : i32
      %add3A_551 = arith.addi %mul3A_2, %mul3A_550 : i32
      %dma_start3A_552 = arith.constant 2 : i32
      %dma_start3A_553 = arith.constant 0 : i32
      %dma_start3A_554 = arith.constant 0 : i32
      %dma_start3A_555 = tpu.memref_slice %arg13[%dma_start3A_552, %dma_start3A_553, %dma_start3A_554] : memref<4x8x1024xf32, #tpu.memory_space<vmem>> -> memref<1x8x1024xf32, #tpu.memory_space<vmem>>
      %dma_start3A_556 = tpu.memref_squeeze %dma_start3A_555 : memref<1x8x1024xf32, #tpu.memory_space<vmem>> -> memref<8x1024xf32, #tpu.memory_space<vmem>>
      %dma_start3A_557 = arith.constant 0 : i32
      %dma_start3A_558 = tpu.memref_slice %arg9[%add3A_551, %dma_start3A_557] : memref<32768x1024xf32, #tpu.memory_space<hbm>> -> memref<8x1024xf32, #tpu.memory_space<hbm>>
      %dma_start3A_559 = arith.constant 0 : i32
      %dma_start3A_560 = tpu.memref_slice %arg9[%add3A_551, %dma_start3A_559] : memref<32768x1024xf32, #tpu.memory_space<hbm>> -> memref<8x1024xf32, #tpu.memory_space<hbm>>
      %dma_start3A_561 = arith.constant 0 : i32
      %dma_start3A_562 = arith.constant 0 : i32
      %dma_start3A_563 = tpu.memref_slice %arg13[%dma_start3A_552, %dma_start3A_561, %dma_start3A_562] : memref<4x8x1024xf32, #tpu.memory_space<vmem>> -> memref<1x8x1024xf32, #tpu.memory_space<vmem>>
      %dma_start3A_564 = tpu.memref_squeeze %dma_start3A_563 : memref<1x8x1024xf32, #tpu.memory_space<vmem>> -> memref<8x1024xf32, #tpu.memory_space<vmem>>
      tpu.enqueue_dma source(%dma_start3A_564 : memref<8x1024xf32, #tpu.memory_space<vmem>>) target(%dma_start3A_560 : memref<8x1024xf32, #tpu.memory_space<hbm>>) target_semaphore(%arg25 : memref<!tpu.dma_semaphore, #tpu.memory_space<semaphore_mem>>)
      %mul3A_565 = arith.constant 4 : i32
      %mul3A_566 = arith.muli %mul3A_565, %scan3A_93 : i32
      %add3A_567 = arith.constant 3 : i32
      %add3A_568 = arith.addi %mul3A_566, %add3A_567 : i32
      %dma_wait3A_569 = arith.constant 0 : i32
      %dma_wait3A_570 = arith.constant 0 : i32
      %dma_wait3A_571 = arith.constant 0 : i32
      %dma_wait3A_572 = tpu.memref_slice %arg13[%dma_wait3A_569, %dma_wait3A_570, %dma_wait3A_571] : memref<4x8x1024xf32, #tpu.memory_space<vmem>> -> memref<1x8x1024xf32, #tpu.memory_space<vmem>>
      %dma_wait3A_573 = tpu.memref_squeeze %dma_wait3A_572 : memref<1x8x1024xf32, #tpu.memory_space<vmem>> -> memref<8x1024xf32, #tpu.memory_space<vmem>>
      %dma_wait3A_574 = arith.constant 0 : i32
      %dma_wait3A_575 = arith.constant 0 : i32
      %dma_wait3A_576 = tpu.memref_slice %arg9[%dma_wait3A_574, %dma_wait3A_575] : memref<32768x1024xf32, #tpu.memory_space<hbm>> -> memref<8x1024xf32, #tpu.memory_space<hbm>>
      %dma_wait3A_577 = arith.constant 0 : i32
      %dma_wait3A_578 = arith.constant 0 : i32
      %dma_wait3A_579 = tpu.memref_slice %arg9[%dma_wait3A_577, %dma_wait3A_578] : memref<32768x1024xf32, #tpu.memory_space<hbm>> -> memref<8x1024xf32, #tpu.memory_space<hbm>>
      %dma_wait3A_580 = arith.constant 0 : i32
      %dma_wait3A_581 = arith.constant 0 : i32
      %dma_wait3A_582 = tpu.memref_slice %arg13[%dma_wait3A_569, %dma_wait3A_580, %dma_wait3A_581] : memref<4x8x1024xf32, #tpu.memory_space<vmem>> -> memref<1x8x1024xf32, #tpu.memory_space<vmem>>
      %dma_wait3A_583 = tpu.memref_squeeze %dma_wait3A_582 : memref<1x8x1024xf32, #tpu.memory_space<vmem>> -> memref<8x1024xf32, #tpu.memory_space<vmem>>
      tpu.wait_dma2 semaphore(%arg23 : memref<!tpu.dma_semaphore, #tpu.memory_space<semaphore_mem>>) src(%dma_wait3A_583 : memref<8x1024xf32, #tpu.memory_space<vmem>>) dst(%dma_wait3A_579 : memref<8x1024xf32, #tpu.memory_space<hbm>>)
      %lt3A = arith.constant 31 : i32
      %lt3A_584 = arith.cmpi slt, %scan3A_93, %lt3A : i32
      %convert_element_type3A_585 = arith.extui %lt3A_584 : i1 to i32
      %cond3A_586 = arith.constant 0 : i32
      %cond3A_587 = arith.cmpi ne, %convert_element_type3A_585, %cond3A_586 : i32
      scf.if %cond3A_587 {
        %add3A_697 = arith.constant 1 : i32
        %add3A_698 = arith.addi %add3A_568, %add3A_697 : i32
        %mul3A_699 = arith.constant 8 : i32
        %mul3A_700 = arith.muli %add3A_698, %mul3A_699 : i32
        %add3A_701 = arith.addi %mul3A_2, %mul3A_700 : i32
        %mul3A_702 = arith.constant 8 : i32
        %mul3A_703 = arith.muli %add3A_698, %mul3A_702 : i32
        %dma_start3A_704 = arith.constant 0 : i32
        %dma_start3A_705 = arith.constant 0 : i32
        %dma_start3A_706 = arith.constant 0 : i32
        %dma_start3A_707 = tpu.memref_slice %arg14[%arg1, %dma_start3A_704, %dma_start3A_705, %dma_start3A_706] : memref<16x2x8x1024xf32, #tpu.memory_space<vmem_shared>> -> memref<1x1x8x1024xf32, #tpu.memory_space<vmem_shared>>
        %dma_start3A_708 = tpu.memref_squeeze %dma_start3A_707 : memref<1x1x8x1024xf32, #tpu.memory_space<vmem_shared>> -> memref<8x1024xf32, #tpu.memory_space<vmem_shared>>
        %dma_start3A_709 = arith.constant 0 : i32
        %dma_start3A_710 = tpu.memref_slice %arg2[%add3A_701, %dma_start3A_709] : memref<32768x1024xf32, #tpu.memory_space<hbm>> -> memref<8x1024xf32, #tpu.memory_space<hbm>>
        tpu.enqueue_dma source(%dma_start3A_710 : memref<8x1024xf32, #tpu.memory_space<hbm>>) target(%dma_start3A_708 : memref<8x1024xf32, #tpu.memory_space<vmem_shared>>) target_semaphore(%arg20 : memref<!tpu.dma_semaphore, #tpu.memory_space<semaphore_mem>>)
        %dma_start3A_711 = arith.constant 0 : i32
        %dma_start3A_712 = arith.constant 0 : i32
        %dma_start3A_713 = arith.constant 0 : i32
        %dma_start3A_714 = tpu.memref_slice %arg15[%dma_start3A_711, %dma_start3A_712, %dma_start3A_713] : memref<2x8x1024xf32, #tpu.memory_space<vmem>> -> memref<1x8x1024xf32, #tpu.memory_space<vmem>>
        %dma_start3A_715 = tpu.memref_squeeze %dma_start3A_714 : memref<1x8x1024xf32, #tpu.memory_space<vmem>> -> memref<8x1024xf32, #tpu.memory_space<vmem>>
        %dma_start3A_716 = tpu.memref_slice %arg10[%mul3A_703] : memref<1024xi32, #tpu.memory_space<vmem>> -> memref<8xi32, #tpu.memory_space<vmem>>
        %dma_start3A_717 = arith.constant 0 : i32
        %dma_start3A_718 = arith.constant 0 : i32
        %dma_start3A_719 = tpu.memref_slice %arg6[%dma_start3A_717, %dma_start3A_718] : memref<8192x1024xf32, #tpu.memory_space<hbm>> -> memref<8192x1024xf32, #tpu.memory_space<hbm>>
        tpu.enqueue_indirect_dma source(%dma_start3A_719 : memref<8192x1024xf32, #tpu.memory_space<hbm>>) target(%dma_start3A_715 : memref<8x1024xf32, #tpu.memory_space<vmem>>) offsets(%dma_start3A_716 : memref<8xi32, #tpu.memory_space<vmem>>) semaphore(%arg18 : memref<!tpu.dma_semaphore, #tpu.memory_space<semaphore_mem>>)
        %dma_start3A_720 = arith.constant 0 : i32
        %dma_start3A_721 = arith.constant 0 : i32
        %dma_start3A_722 = arith.constant 0 : i32
        %dma_start3A_723 = tpu.memref_slice %arg16[%dma_start3A_720, %dma_start3A_721, %dma_start3A_722] : memref<2x8x1024xf32, #tpu.memory_space<vmem>> -> memref<1x8x1024xf32, #tpu.memory_space<vmem>>
        %dma_start3A_724 = tpu.memref_squeeze %dma_start3A_723 : memref<1x8x1024xf32, #tpu.memory_space<vmem>> -> memref<8x1024xf32, #tpu.memory_space<vmem>>
        %dma_start3A_725 = tpu.memref_slice %arg11[%mul3A_703] : memref<1024xi32, #tpu.memory_space<vmem>> -> memref<8xi32, #tpu.memory_space<vmem>>
        %dma_start3A_726 = arith.constant 0 : i32
        %dma_start3A_727 = arith.constant 0 : i32
        %dma_start3A_728 = tpu.memref_slice %arg7[%dma_start3A_726, %dma_start3A_727] : memref<8192x1024xf32, #tpu.memory_space<hbm>> -> memref<8192x1024xf32, #tpu.memory_space<hbm>>
        tpu.enqueue_indirect_dma source(%dma_start3A_728 : memref<8192x1024xf32, #tpu.memory_space<hbm>>) target(%dma_start3A_724 : memref<8x1024xf32, #tpu.memory_space<vmem>>) offsets(%dma_start3A_725 : memref<8xi32, #tpu.memory_space<vmem>>) semaphore(%arg18 : memref<!tpu.dma_semaphore, #tpu.memory_space<semaphore_mem>>)
        %dma_start3A_729 = arith.constant 0 : i32
        %dma_start3A_730 = arith.constant 0 : i32
        %dma_start3A_731 = arith.constant 0 : i32
        %dma_start3A_732 = tpu.memref_slice %arg17[%dma_start3A_729, %dma_start3A_730, %dma_start3A_731] : memref<2x8x1024xf32, #tpu.memory_space<vmem>> -> memref<1x8x1024xf32, #tpu.memory_space<vmem>>
        %dma_start3A_733 = tpu.memref_squeeze %dma_start3A_732 : memref<1x8x1024xf32, #tpu.memory_space<vmem>> -> memref<8x1024xf32, #tpu.memory_space<vmem>>
        %dma_start3A_734 = tpu.memref_slice %arg12[%mul3A_703] : memref<1024xi32, #tpu.memory_space<vmem>> -> memref<8xi32, #tpu.memory_space<vmem>>
        %dma_start3A_735 = arith.constant 0 : i32
        %dma_start3A_736 = arith.constant 0 : i32
        %dma_start3A_737 = tpu.memref_slice %arg8[%dma_start3A_735, %dma_start3A_736] : memref<8192x1024xf32, #tpu.memory_space<hbm>> -> memref<8192x1024xf32, #tpu.memory_space<hbm>>
        tpu.enqueue_indirect_dma source(%dma_start3A_737 : memref<8192x1024xf32, #tpu.memory_space<hbm>>) target(%dma_start3A_733 : memref<8x1024xf32, #tpu.memory_space<vmem>>) offsets(%dma_start3A_734 : memref<8xi32, #tpu.memory_space<vmem>>) semaphore(%arg18 : memref<!tpu.dma_semaphore, #tpu.memory_space<semaphore_mem>>)
      } else {
      }
      %dma_wait3A_588 = arith.constant 1 : i32
      %dma_wait3A_589 = arith.constant 0 : i32
      %dma_wait3A_590 = arith.constant 0 : i32
      %dma_wait3A_591 = tpu.memref_slice %arg14[%arg1, %dma_wait3A_588, %dma_wait3A_589, %dma_wait3A_590] : memref<16x2x8x1024xf32, #tpu.memory_space<vmem_shared>> -> memref<1x1x8x1024xf32, #tpu.memory_space<vmem_shared>>
      %dma_wait3A_592 = tpu.memref_squeeze %dma_wait3A_591 : memref<1x1x8x1024xf32, #tpu.memory_space<vmem_shared>> -> memref<8x1024xf32, #tpu.memory_space<vmem_shared>>
      %dma_wait3A_593 = arith.constant 0 : i32
      %dma_wait3A_594 = arith.constant 0 : i32
      %dma_wait3A_595 = tpu.memref_slice %arg2[%dma_wait3A_593, %dma_wait3A_594] : memref<32768x1024xf32, #tpu.memory_space<hbm>> -> memref<8x1024xf32, #tpu.memory_space<hbm>>
      tpu.wait_dma2 semaphore(%arg21 : memref<!tpu.dma_semaphore, #tpu.memory_space<semaphore_mem>>) src(%dma_wait3A_595 : memref<8x1024xf32, #tpu.memory_space<hbm>>) dst(%dma_wait3A_592 : memref<8x1024xf32, #tpu.memory_space<vmem_shared>>)
      %dma_start3A_596 = arith.constant 1 : i32
      %dma_start3A_597 = arith.constant 3 : i32
      %dma_start3A_598 = arith.constant 0 : i32
      %dma_start3A_599 = arith.constant 0 : i32
      %dma_start3A_600 = tpu.memref_slice %arg13[%dma_start3A_597, %dma_start3A_598, %dma_start3A_599] : memref<4x8x1024xf32, #tpu.memory_space<vmem>> -> memref<1x8x1024xf32, #tpu.memory_space<vmem>>
      %dma_start3A_601 = tpu.memref_squeeze %dma_start3A_600 : memref<1x8x1024xf32, #tpu.memory_space<vmem>> -> memref<8x1024xf32, #tpu.memory_space<vmem>>
      %dma_start3A_602 = arith.constant 0 : i32
      %dma_start3A_603 = arith.constant 0 : i32
      %dma_start3A_604 = tpu.memref_slice %arg14[%arg1, %dma_start3A_596, %dma_start3A_602, %dma_start3A_603] : memref<16x2x8x1024xf32, #tpu.memory_space<vmem_shared>> -> memref<1x1x8x1024xf32, #tpu.memory_space<vmem_shared>>
      %dma_start3A_605 = tpu.memref_squeeze %dma_start3A_604 : memref<1x1x8x1024xf32, #tpu.memory_space<vmem_shared>> -> memref<8x1024xf32, #tpu.memory_space<vmem_shared>>
      %dma_start3A_606 = arith.constant 0 : i32
      %dma_start3A_607 = arith.constant 0 : i32
      %dma_start3A_608 = tpu.memref_slice %arg13[%dma_start3A_597, %dma_start3A_606, %dma_start3A_607] : memref<4x8x1024xf32, #tpu.memory_space<vmem>> -> memref<1x8x1024xf32, #tpu.memory_space<vmem>>
      %dma_start3A_609 = tpu.memref_squeeze %dma_start3A_608 : memref<1x8x1024xf32, #tpu.memory_space<vmem>> -> memref<8x1024xf32, #tpu.memory_space<vmem>>
      %dma_start3A_610 = arith.constant 0 : i32
      %dma_start3A_611 = arith.constant 0 : i32
      %dma_start3A_612 = tpu.memref_slice %arg14[%arg1, %dma_start3A_596, %dma_start3A_610, %dma_start3A_611] : memref<16x2x8x1024xf32, #tpu.memory_space<vmem_shared>> -> memref<1x1x8x1024xf32, #tpu.memory_space<vmem_shared>>
      %dma_start3A_613 = tpu.memref_squeeze %dma_start3A_612 : memref<1x1x8x1024xf32, #tpu.memory_space<vmem_shared>> -> memref<8x1024xf32, #tpu.memory_space<vmem_shared>>
      tpu.enqueue_dma source(%dma_start3A_613 : memref<8x1024xf32, #tpu.memory_space<vmem_shared>>) target(%dma_start3A_609 : memref<8x1024xf32, #tpu.memory_space<vmem>>) target_semaphore(%arg22 : memref<!tpu.dma_semaphore, #tpu.memory_space<semaphore_mem>>)
      %dma_wait3A_614 = arith.constant 1 : i32
      %dma_wait3A_615 = arith.constant 0 : i32
      %dma_wait3A_616 = arith.constant 0 : i32
      %dma_wait3A_617 = tpu.memref_slice %arg15[%dma_wait3A_614, %dma_wait3A_615, %dma_wait3A_616] : memref<2x8x1024xf32, #tpu.memory_space<vmem>> -> memref<1x8x1024xf32, #tpu.memory_space<vmem>>
      %dma_wait3A_618 = tpu.memref_squeeze %dma_wait3A_617 : memref<1x8x1024xf32, #tpu.memory_space<vmem>> -> memref<8x1024xf32, #tpu.memory_space<vmem>>
      %dma_wait3A_619 = arith.constant 0 : i32
      %dma_wait3A_620 = arith.constant 0 : i32
      %dma_wait3A_621 = tpu.memref_slice %arg2[%dma_wait3A_619, %dma_wait3A_620] : memref<32768x1024xf32, #tpu.memory_space<hbm>> -> memref<8x1024xf32, #tpu.memory_space<hbm>>
      %dma_wait3A_622 = arith.constant 0 : i32
      %dma_wait3A_623 = arith.constant 0 : i32
      %dma_wait3A_624 = tpu.memref_slice %arg15[%dma_wait3A_614, %dma_wait3A_622, %dma_wait3A_623] : memref<2x8x1024xf32, #tpu.memory_space<vmem>> -> memref<1x8x1024xf32, #tpu.memory_space<vmem>>
      %dma_wait3A_625 = tpu.memref_squeeze %dma_wait3A_624 : memref<1x8x1024xf32, #tpu.memory_space<vmem>> -> memref<8x1024xf32, #tpu.memory_space<vmem>>
      %dma_wait3A_626 = arith.constant 0 : i32
      %dma_wait3A_627 = arith.constant 0 : i32
      %dma_wait3A_628 = tpu.memref_slice %arg2[%dma_wait3A_626, %dma_wait3A_627] : memref<32768x1024xf32, #tpu.memory_space<hbm>> -> memref<8x1024xf32, #tpu.memory_space<hbm>>
      tpu.wait_dma2 semaphore(%arg19 : memref<!tpu.dma_semaphore, #tpu.memory_space<semaphore_mem>>) src(%dma_wait3A_628 : memref<8x1024xf32, #tpu.memory_space<hbm>>) dst(%dma_wait3A_625 : memref<8x1024xf32, #tpu.memory_space<vmem>>)
      %dma_wait3A_629 = arith.constant 1 : i32
      %dma_wait3A_630 = arith.constant 0 : i32
      %dma_wait3A_631 = arith.constant 0 : i32
      %dma_wait3A_632 = tpu.memref_slice %arg16[%dma_wait3A_629, %dma_wait3A_630, %dma_wait3A_631] : memref<2x8x1024xf32, #tpu.memory_space<vmem>> -> memref<1x8x1024xf32, #tpu.memory_space<vmem>>
      %dma_wait3A_633 = tpu.memref_squeeze %dma_wait3A_632 : memref<1x8x1024xf32, #tpu.memory_space<vmem>> -> memref<8x1024xf32, #tpu.memory_space<vmem>>
      %dma_wait3A_634 = arith.constant 0 : i32
      %dma_wait3A_635 = arith.constant 0 : i32
      %dma_wait3A_636 = tpu.memref_slice %arg2[%dma_wait3A_634, %dma_wait3A_635] : memref<32768x1024xf32, #tpu.memory_space<hbm>> -> memref<8x1024xf32, #tpu.memory_space<hbm>>
      %dma_wait3A_637 = arith.constant 0 : i32
      %dma_wait3A_638 = arith.constant 0 : i32
      %dma_wait3A_639 = tpu.memref_slice %arg16[%dma_wait3A_629, %dma_wait3A_637, %dma_wait3A_638] : memref<2x8x1024xf32, #tpu.memory_space<vmem>> -> memref<1x8x1024xf32, #tpu.memory_space<vmem>>
      %dma_wait3A_640 = tpu.memref_squeeze %dma_wait3A_639 : memref<1x8x1024xf32, #tpu.memory_space<vmem>> -> memref<8x1024xf32, #tpu.memory_space<vmem>>
      %dma_wait3A_641 = arith.constant 0 : i32
      %dma_wait3A_642 = arith.constant 0 : i32
      %dma_wait3A_643 = tpu.memref_slice %arg2[%dma_wait3A_641, %dma_wait3A_642] : memref<32768x1024xf32, #tpu.memory_space<hbm>> -> memref<8x1024xf32, #tpu.memory_space<hbm>>
      tpu.wait_dma2 semaphore(%arg19 : memref<!tpu.dma_semaphore, #tpu.memory_space<semaphore_mem>>) src(%dma_wait3A_643 : memref<8x1024xf32, #tpu.memory_space<hbm>>) dst(%dma_wait3A_640 : memref<8x1024xf32, #tpu.memory_space<vmem>>)
      %dma_wait3A_644 = arith.constant 1 : i32
      %dma_wait3A_645 = arith.constant 0 : i32
      %dma_wait3A_646 = arith.constant 0 : i32
      %dma_wait3A_647 = tpu.memref_slice %arg17[%dma_wait3A_644, %dma_wait3A_645, %dma_wait3A_646] : memref<2x8x1024xf32, #tpu.memory_space<vmem>> -> memref<1x8x1024xf32, #tpu.memory_space<vmem>>
      %dma_wait3A_648 = tpu.memref_squeeze %dma_wait3A_647 : memref<1x8x1024xf32, #tpu.memory_space<vmem>> -> memref<8x1024xf32, #tpu.memory_space<vmem>>
      %dma_wait3A_649 = arith.constant 0 : i32
      %dma_wait3A_650 = arith.constant 0 : i32
      %dma_wait3A_651 = tpu.memref_slice %arg2[%dma_wait3A_649, %dma_wait3A_650] : memref<32768x1024xf32, #tpu.memory_space<hbm>> -> memref<8x1024xf32, #tpu.memory_space<hbm>>
      %dma_wait3A_652 = arith.constant 0 : i32
      %dma_wait3A_653 = arith.constant 0 : i32
      %dma_wait3A_654 = tpu.memref_slice %arg17[%dma_wait3A_644, %dma_wait3A_652, %dma_wait3A_653] : memref<2x8x1024xf32, #tpu.memory_space<vmem>> -> memref<1x8x1024xf32, #tpu.memory_space<vmem>>
      %dma_wait3A_655 = tpu.memref_squeeze %dma_wait3A_654 : memref<1x8x1024xf32, #tpu.memory_space<vmem>> -> memref<8x1024xf32, #tpu.memory_space<vmem>>
      %dma_wait3A_656 = arith.constant 0 : i32
      %dma_wait3A_657 = arith.constant 0 : i32
      %dma_wait3A_658 = tpu.memref_slice %arg2[%dma_wait3A_656, %dma_wait3A_657] : memref<32768x1024xf32, #tpu.memory_space<hbm>> -> memref<8x1024xf32, #tpu.memory_space<hbm>>
      tpu.wait_dma2 semaphore(%arg19 : memref<!tpu.dma_semaphore, #tpu.memory_space<semaphore_mem>>) src(%dma_wait3A_658 : memref<8x1024xf32, #tpu.memory_space<hbm>>) dst(%dma_wait3A_655 : memref<8x1024xf32, #tpu.memory_space<vmem>>)
      %dma_wait3A_659 = arith.constant 1 : i32
      %dma_wait3A_660 = arith.constant 3 : i32
      %dma_wait3A_661 = arith.constant 0 : i32
      %dma_wait3A_662 = arith.constant 0 : i32
      %dma_wait3A_663 = tpu.memref_slice %arg13[%dma_wait3A_660, %dma_wait3A_661, %dma_wait3A_662] : memref<4x8x1024xf32, #tpu.memory_space<vmem>> -> memref<1x8x1024xf32, #tpu.memory_space<vmem>>
      %dma_wait3A_664 = tpu.memref_squeeze %dma_wait3A_663 : memref<1x8x1024xf32, #tpu.memory_space<vmem>> -> memref<8x1024xf32, #tpu.memory_space<vmem>>
      %dma_wait3A_665 = arith.constant 0 : i32
      %dma_wait3A_666 = arith.constant 0 : i32
      %dma_wait3A_667 = tpu.memref_slice %arg14[%arg1, %dma_wait3A_659, %dma_wait3A_665, %dma_wait3A_666] : memref<16x2x8x1024xf32, #tpu.memory_space<vmem_shared>> -> memref<1x1x8x1024xf32, #tpu.memory_space<vmem_shared>>
      %dma_wait3A_668 = tpu.memref_squeeze %dma_wait3A_667 : memref<1x1x8x1024xf32, #tpu.memory_space<vmem_shared>> -> memref<8x1024xf32, #tpu.memory_space<vmem_shared>>
      %dma_wait3A_669 = arith.constant 0 : i32
      %dma_wait3A_670 = arith.constant 0 : i32
      %dma_wait3A_671 = tpu.memref_slice %arg13[%dma_wait3A_660, %dma_wait3A_669, %dma_wait3A_670] : memref<4x8x1024xf32, #tpu.memory_space<vmem>> -> memref<1x8x1024xf32, #tpu.memory_space<vmem>>
      %dma_wait3A_672 = tpu.memref_squeeze %dma_wait3A_671 : memref<1x8x1024xf32, #tpu.memory_space<vmem>> -> memref<8x1024xf32, #tpu.memory_space<vmem>>
      %dma_wait3A_673 = arith.constant 0 : i32
      %dma_wait3A_674 = arith.constant 0 : i32
      %dma_wait3A_675 = tpu.memref_slice %arg14[%arg1, %dma_wait3A_659, %dma_wait3A_673, %dma_wait3A_674] : memref<16x2x8x1024xf32, #tpu.memory_space<vmem_shared>> -> memref<1x1x8x1024xf32, #tpu.memory_space<vmem_shared>>
      %dma_wait3A_676 = tpu.memref_squeeze %dma_wait3A_675 : memref<1x1x8x1024xf32, #tpu.memory_space<vmem_shared>> -> memref<8x1024xf32, #tpu.memory_space<vmem_shared>>
      tpu.wait_dma2 semaphore(%arg22 : memref<!tpu.dma_semaphore, #tpu.memory_space<semaphore_mem>>) src(%dma_wait3A_676 : memref<8x1024xf32, #tpu.memory_space<vmem_shared>>) dst(%dma_wait3A_672 : memref<8x1024xf32, #tpu.memory_space<vmem>>)
      %parallel_loop3A_677 = arith.constant 0 : i32
      %parallel_loop3A_678 = arith.constant 512 : i32
      %parallel_loop3A_679 = arith.constant 1 : i32
      scf.for %parallel_loop3A_697 = %parallel_loop3A_677 to %parallel_loop3A_678 step %parallel_loop3A_679  : i32 {
        %parallel_loop3A_698 = arith.constant 6 : i32
        %parallel_loop3A_699 = arith.shrsi %parallel_loop3A_697, %parallel_loop3A_698 : i32
        %parallel_loop3A_700 = arith.constant 63 : i32
        %parallel_loop3A_701 = arith.andi %parallel_loop3A_697, %parallel_loop3A_700 : i32
        %parallel_loop3A_702 = arith.constant 16 : i32
        %parallel_loop3A_703 = arith.muli %parallel_loop3A_701, %parallel_loop3A_702 : i32
        %parallel_loop3A_704 = arith.constant 1 : i32
        %parallel_loop3A_705 = arith.index_cast %parallel_loop3A_704 : i32 to index
        %parallel_loop3A_706 = arith.index_cast %parallel_loop3A_699 : i32 to index
        %parallel_loop3A_707 = arith.index_cast %parallel_loop3A_703 : i32 to index
        %parallel_loop3A_708 = tpu.vector_load %arg15[%parallel_loop3A_705, %parallel_loop3A_706, %parallel_loop3A_707] {strides = array<i32>} : memref<2x8x1024xf32, #tpu.memory_space<vmem>>, vector<1x1x16xf32>,
        %parallel_loop3A_709 = vector.shape_cast %parallel_loop3A_708 : vector<1x1x16xf32> to vector<16xf32>
        %parallel_loop3A_710 = arith.constant 1 : i32
        %parallel_loop3A_711 = arith.index_cast %parallel_loop3A_710 : i32 to index
        %parallel_loop3A_712 = arith.index_cast %parallel_loop3A_699 : i32 to index
        %parallel_loop3A_713 = arith.index_cast %parallel_loop3A_703 : i32 to index
        %parallel_loop3A_714 = tpu.vector_load %arg16[%parallel_loop3A_711, %parallel_loop3A_712, %parallel_loop3A_713] {strides = array<i32>} : memref<2x8x1024xf32, #tpu.memory_space<vmem>>, vector<1x1x16xf32>,
        %parallel_loop3A_715 = vector.shape_cast %parallel_loop3A_714 : vector<1x1x16xf32> to vector<16xf32>
        %parallel_loop3A_716 = arith.addf %parallel_loop3A_709, %parallel_loop3A_715 : vector<16xf32>
        %parallel_loop3A_717 = arith.constant 1 : i32
        %parallel_loop3A_718 = arith.index_cast %parallel_loop3A_717 : i32 to index
        %parallel_loop3A_719 = arith.index_cast %parallel_loop3A_699 : i32 to index
        %parallel_loop3A_720 = arith.index_cast %parallel_loop3A_703 : i32 to index
        %parallel_loop3A_721 = tpu.vector_load %arg17[%parallel_loop3A_718, %parallel_loop3A_719, %parallel_loop3A_720] {strides = array<i32>} : memref<2x8x1024xf32, #tpu.memory_space<vmem>>, vector<1x1x16xf32>,
        %parallel_loop3A_722 = vector.shape_cast %parallel_loop3A_721 : vector<1x1x16xf32> to vector<16xf32>
        %parallel_loop3A_723 = arith.addf %parallel_loop3A_716, %parallel_loop3A_722 : vector<16xf32>
        %parallel_loop3A_724 = arith.constant 3 : i32
        %parallel_loop3A_725 = arith.index_cast %parallel_loop3A_724 : i32 to index
        %parallel_loop3A_726 = arith.index_cast %parallel_loop3A_699 : i32 to index
        %parallel_loop3A_727 = arith.index_cast %parallel_loop3A_703 : i32 to index
        %parallel_loop3A_728 = tpu.vector_load %arg13[%parallel_loop3A_725, %parallel_loop3A_726, %parallel_loop3A_727] {strides = array<i32>} : memref<4x8x1024xf32, #tpu.memory_space<vmem>>, vector<1x1x16xf32>,
        %parallel_loop3A_729 = vector.shape_cast %parallel_loop3A_728 : vector<1x1x16xf32> to vector<16xf32>
        %parallel_loop3A_730 = vector.shape_cast %parallel_loop3A_723 : vector<16xf32> to vector<1x1x16xf32>
        tpu.vector_store %arg13[%parallel_loop3A_725, %parallel_loop3A_726, %parallel_loop3A_727], %parallel_loop3A_730 {add = true, strides = array<i32>} : memref<4x8x1024xf32, #tpu.memory_space<vmem>>, vector<1x1x16xf32>,
      } {sc.loop_unroll_factor = 8 : i64, sc.parallel_access}
      %mul3A_680 = arith.constant 8 : i32
      %mul3A_681 = arith.muli %add3A_568, %mul3A_680 : i32
      %add3A_682 = arith.addi %mul3A_2, %mul3A_681 : i32
      %dma_start3A_683 = arith.constant 3 : i32
      %dma_start3A_684 = arith.constant 0 : i32
      %dma_start3A_685 = arith.constant 0 : i32
      %dma_start3A_686 = tpu.memref_slice %arg13[%dma_start3A_683, %dma_start3A_684, %dma_start3A_685] : memref<4x8x1024xf32, #tpu.memory_space<vmem>> -> memref<1x8x1024xf32, #tpu.memory_space<vmem>>
      %dma_start3A_687 = tpu.memref_squeeze %dma_start3A_686 : memref<1x8x1024xf32, #tpu.memory_space<vmem>> -> memref<8x1024xf32, #tpu.memory_space<vmem>>
      %dma_start3A_688 = arith.constant 0 : i32
      %dma_start3A_689 = tpu.memref_slice %arg9[%add3A_682, %dma_start3A_688] : memref<32768x1024xf32, #tpu.memory_space<hbm>> -> memref<8x1024xf32, #tpu.memory_space<hbm>>
      %dma_start3A_690 = arith.constant 0 : i32
      %dma_start3A_691 = tpu.memref_slice %arg9[%add3A_682, %dma_start3A_690] : memref<32768x1024xf32, #tpu.memory_space<hbm>> -> memref<8x1024xf32, #tpu.memory_space<hbm>>
      %dma_start3A_692 = arith.constant 0 : i32
      %dma_start3A_693 = arith.constant 0 : i32
      %dma_start3A_694 = tpu.memref_slice %arg13[%dma_start3A_683, %dma_start3A_692, %dma_start3A_693] : memref<4x8x1024xf32, #tpu.memory_space<vmem>> -> memref<1x8x1024xf32, #tpu.memory_space<vmem>>
      %dma_start3A_695 = tpu.memref_squeeze %dma_start3A_694 : memref<1x8x1024xf32, #tpu.memory_space<vmem>> -> memref<8x1024xf32, #tpu.memory_space<vmem>>
      tpu.enqueue_dma source(%dma_start3A_695 : memref<8x1024xf32, #tpu.memory_space<vmem>>) target(%dma_start3A_691 : memref<8x1024xf32, #tpu.memory_space<hbm>>) target_semaphore(%arg26 : memref<!tpu.dma_semaphore, #tpu.memory_space<semaphore_mem>>)
      %scan3A_696 = arith.constant 0 : i32
      scf.yield %scan3A_696 : i32
    }
    %scan3A_48 = arith.constant 32 : i32
    %dma_wait3A = arith.constant 0 : i32
    %dma_wait3A_49 = arith.constant 0 : i32
    %dma_wait3A_50 = arith.constant 0 : i32
    %dma_wait3A_51 = tpu.memref_slice %arg13[%dma_wait3A, %dma_wait3A_49, %dma_wait3A_50] : memref<4x8x1024xf32, #tpu.memory_space<vmem>> -> memref<1x8x1024xf32, #tpu.memory_space<vmem>>
    %dma_wait3A_52 = tpu.memref_squeeze %dma_wait3A_51 : memref<1x8x1024xf32, #tpu.memory_space<vmem>> -> memref<8x1024xf32, #tpu.memory_space<vmem>>
    %dma_wait3A_53 = arith.constant 0 : i32
    %dma_wait3A_54 = arith.constant 0 : i32
    %dma_wait3A_55 = tpu.memref_slice %arg9[%dma_wait3A_53, %dma_wait3A_54] : memref<32768x1024xf32, #tpu.memory_space<hbm>> -> memref<8x1024xf32, #tpu.memory_space<hbm>>
    %dma_wait3A_56 = arith.constant 0 : i32
    %dma_wait3A_57 = arith.constant 0 : i32
    %dma_wait3A_58 = tpu.memref_slice %arg9[%dma_wait3A_56, %dma_wait3A_57] : memref<32768x1024xf32, #tpu.memory_space<hbm>> -> memref<8x1024xf32, #tpu.memory_space<hbm>>
    %dma_wait3A_59 = arith.constant 0 : i32
    %dma_wait3A_60 = arith.constant 0 : i32
    %dma_wait3A_61 = tpu.memref_slice %arg13[%dma_wait3A, %dma_wait3A_59, %dma_wait3A_60] : memref<4x8x1024xf32, #tpu.memory_space<vmem>> -> memref<1x8x1024xf32, #tpu.memory_space<vmem>>
    %dma_wait3A_62 = tpu.memref_squeeze %dma_wait3A_61 : memref<1x8x1024xf32, #tpu.memory_space<vmem>> -> memref<8x1024xf32, #tpu.memory_space<vmem>>
    tpu.wait_dma2 semaphore(%arg24 : memref<!tpu.dma_semaphore, #tpu.memory_space<semaphore_mem>>) src(%dma_wait3A_62 : memref<8x1024xf32, #tpu.memory_space<vmem>>) dst(%dma_wait3A_58 : memref<8x1024xf32, #tpu.memory_space<hbm>>)
    %dma_wait3A_63 = arith.constant 0 : i32
    %dma_wait3A_64 = arith.constant 0 : i32
    %dma_wait3A_65 = arith.constant 0 : i32
    %dma_wait3A_66 = tpu.memref_slice %arg13[%dma_wait3A_63, %dma_wait3A_64, %dma_wait3A_65] : memref<4x8x1024xf32, #tpu.memory_space<vmem>> -> memref<1x8x1024xf32, #tpu.memory_space<vmem>>
    %dma_wait3A_67 = tpu.memref_squeeze %dma_wait3A_66 : memref<1x8x1024xf32, #tpu.memory_space<vmem>> -> memref<8x1024xf32, #tpu.memory_space<vmem>>
    %dma_wait3A_68 = arith.constant 0 : i32
    %dma_wait3A_69 = arith.constant 0 : i32
    %dma_wait3A_70 = tpu.memref_slice %arg9[%dma_wait3A_68, %dma_wait3A_69] : memref<32768x1024xf32, #tpu.memory_space<hbm>> -> memref<8x1024xf32, #tpu.memory_space<hbm>>
    %dma_wait3A_71 = arith.constant 0 : i32
    %dma_wait3A_72 = arith.constant 0 : i32
    %dma_wait3A_73 = tpu.memref_slice %arg9[%dma_wait3A_71, %dma_wait3A_72] : memref<32768x1024xf32, #tpu.memory_space<hbm>> -> memref<8x1024xf32, #tpu.memory_space<hbm>>
    %dma_wait3A_74 = arith.constant 0 : i32
    %dma_wait3A_75 = arith.constant 0 : i32
    %dma_wait3A_76 = tpu.memref_slice %arg13[%dma_wait3A_63, %dma_wait3A_74, %dma_wait3A_75] : memref<4x8x1024xf32, #tpu.memory_space<vmem>> -> memref<1x8x1024xf32, #tpu.memory_space<vmem>>
    %dma_wait3A_77 = tpu.memref_squeeze %dma_wait3A_76 : memref<1x8x1024xf32, #tpu.memory_space<vmem>> -> memref<8x1024xf32, #tpu.memory_space<vmem>>
    tpu.wait_dma2 semaphore(%arg25 : memref<!tpu.dma_semaphore, #tpu.memory_space<semaphore_mem>>) src(%dma_wait3A_77 : memref<8x1024xf32, #tpu.memory_space<vmem>>) dst(%dma_wait3A_73 : memref<8x1024xf32, #tpu.memory_space<hbm>>)
    %dma_wait3A_78 = arith.constant 0 : i32
    %dma_wait3A_79 = arith.constant 0 : i32
    %dma_wait3A_80 = arith.constant 0 : i32
    %dma_wait3A_81 = tpu.memref_slice %arg13[%dma_wait3A_78, %dma_wait3A_79, %dma_wait3A_80] : memref<4x8x1024xf32, #tpu.memory_space<vmem>> -> memref<1x8x1024xf32, #tpu.memory_space<vmem>>
    %dma_wait3A_82 = tpu.memref_squeeze %dma_wait3A_81 : memref<1x8x1024xf32, #tpu.memory_space<vmem>> -> memref<8x1024xf32, #tpu.memory_space<vmem>>
    %dma_wait3A_83 = arith.constant 0 : i32
    %dma_wait3A_84 = arith.constant 0 : i32
    %dma_wait3A_85 = tpu.memref_slice %arg9[%dma_wait3A_83, %dma_wait3A_84] : memref<32768x1024xf32, #tpu.memory_space<hbm>> -> memref<8x1024xf32, #tpu.memory_space<hbm>>
    %dma_wait3A_86 = arith.constant 0 : i32
    %dma_wait3A_87 = arith.constant 0 : i32
    %dma_wait3A_88 = tpu.memref_slice %arg9[%dma_wait3A_86, %dma_wait3A_87] : memref<32768x1024xf32, #tpu.memory_space<hbm>> -> memref<8x1024xf32, #tpu.memory_space<hbm>>
    %dma_wait3A_89 = arith.constant 0 : i32
    %dma_wait3A_90 = arith.constant 0 : i32
    %dma_wait3A_91 = tpu.memref_slice %arg13[%dma_wait3A_78, %dma_wait3A_89, %dma_wait3A_90] : memref<4x8x1024xf32, #tpu.memory_space<vmem>> -> memref<1x8x1024xf32, #tpu.memory_space<vmem>>
    %dma_wait3A_92 = tpu.memref_squeeze %dma_wait3A_91 : memref<1x8x1024xf32, #tpu.memory_space<vmem>> -> memref<8x1024xf32, #tpu.memory_space<vmem>>
    tpu.wait_dma2 semaphore(%arg26 : memref<!tpu.dma_semaphore, #tpu.memory_space<semaphore_mem>>) src(%dma_wait3A_92 : memref<8x1024xf32, #tpu.memory_space<vmem>>) dst(%dma_wait3A_88 : memref<8x1024xf32, #tpu.memory_space<hbm>>)
    return
  }
}

</mosaic_0001>

<sc_bundles>
// kernel: kernel.3.cloned.1.call-start
scs
__scs_entry_jumppad:
0x0: {  	(pc) =	sbr.rel $0x88, $3  }
0x1: {  	(tag) =	ssettag $0x0;
	lr =	simm.s32 $0x1  }
0x2: {  	[smem:$0x3F9C] =	sst lr;
	_ =	strace $0xD0000000  }
0x3: {  	_ = 	snop  }
0x4: {  	_ = 	snop  }
0x5: {  	_ = 	snop  }
0x6: {  	_ = 	snop  }
0x7: {  	_ = 	snop  }
__scs_overlays_trampoline_lowered:
0x8: {  	[smem:$0x3FAB] =	sst s0  }
0x9: {  	[smem:$0x3FAC] =	sst s1  }
0xa: {  	[smem:$0x3FAD] =	sst s2  }
0xb: {  	[smem:$0x3FAE] =	sst s3  }
0xc: {  	[smem:$0x3FAF] =	sst s4  }
0xd: {  	[smem:$0x3FB0] =	sst s5  }
0xe: {  	[smem:$0x3FB1] =	sst s6  }
0xf: {  	[smem:$0x3FB2] =	sst s7  }
0x10: {  	[smem:$0x3FB3] =	sst s8  }
0x11: {  	[smem:$0x3FB4] =	sst s9;
	s0 =	simm.s32 @!p0 $0x0  }
0x12: {  	s1 =	sld [smem:$0x3F9A];
	s0 =	simm.s32 @p0 $0x1  }
0x13: {  	[smem:$0x3FB5] =	sst s0;
	s0 =	simm.s32 @!p1 $0x0  }
0x14: {  	s2 =	sld [smem:$0x3F99];
	s0 =	simm.s32 @p1 $0x1  }
0x15: {  	[smem:$0x3FB6] =	sst s0;
	s0 =	simm.s32 @!p2 $0x0  }
0x16: {  	s3 =	sld [smem:$0x3FDB];
	s0 =	simm.s32 @p2 $0x1  }
0x17: {  	s4 =	simm.s32 $0x1BF5;
	[smem:$0x3FB8] =	sst s0  }
0x18: {  	s0 =	sld [smem:$0x3F9B];
	_ =	swait.ge [sflag:s4], $0x0  }
0x19: {  	s7 =	sld [smem:$0x3F9C]  }
0x1a: {  	s8 =	sadd.s32 $0xFFFFE003, lr  }
0x1b: {  	s9 =	sadd.s32 $0xFFFFFEF7, lr;
	s5 =	simm.s32 $0xFFFFFFFF;
	p2 =	slt.u32 s8, $0xFFFFF086  }
0x1c: {  	p1 =	slt.u32 s9, $0xF7A;
	s5 =	simm.s32 @!p2 $0x0  }
0x1d: {  	s5 =	simm.s32 @p1 $0x1;
	p0 =	seq.s32 s7, s2  }
0x1e: {  	s7 =	smul.u32 @!p0 $0xF7A, s2;
	p2 =	seq.s32 @!p0 s5, $0x0  }
0x1f: {  	s9 =	smul.u32 $0xF7A, s1;
	s8 =	simm.s32 @!p0 $0x1BF5;
	p2 =	por !p2, p0  }
0x20: {  	[sflag:s8] =	ssyncset.s32 @!p0 $0xFFFFF086;
	s6 =	sadd.s32 @!p0 s3, s7;
	s7 =	simm.s32 @!p0 $0x108  }
0x21: {  	s3 =	sadd.s32 s3, s9;
	s6 =	sadd.s32 @!p0 $0x88, s6;
	s7 =	simm.s32 @p2 $0x1082  }
0x22: {  	[simem:s7], [sflag:s8] =	dma.local @!p0 [hbm:s6], $0xF7A  }
0x23: {  	s9 =	sor.u32 $0xD0000000, s2;
	s6 =	simm.s32 $0x108;
	_ =	swait.ge @!p0 [sflag:s8], $0x0  }
0x24: {  	s3 =	sadd.s32 $0x88, s3;
	s6 =	simm.s32 @!p1 $0x1082;
	[sflag:s4] =	ssyncset.s32 $0xFFFFF086  }
0x25: {  	[simem:s6], [sflag:s4] =	dma.local [hbm:s3], $0xF7A  }
0x26: {  	[smem:$0x3F9C] =	sst s1;
	(tag) =	ssettag s2;
	_ =	strace s9  }
0x27: {  	s1 =	sld [smem:$0x3FAC]  }
0x28: {  	s2 =	sld [smem:$0x3FAD]  }
0x29: {  	s4 =	sld [smem:$0x3FAF]  }
0x2a: {  	p0 =	seq.s32 s5, $0x0;
	s5 =	sld [smem:$0x3FB0]  }
0x2b: {  	s6 =	sld [smem:$0x3FB1]  }
0x2c: {  	s7 =	sld [smem:$0x3FB2]  }
0x2d: {  	s3 =	simm.s32 $0x108;
	s8 =	sld [smem:$0x3FB3]  }
0x2e: {  	s3 =	simm.s32 @!p0 $0x1082;
	s9 =	sld [smem:$0x3FB4]  }
0x2f: {  	lr =	sadd.s32 s0, s3;
	s0 =	sld [smem:$0x3FAB]  }
0x30: {  	s3 =	sld [smem:$0x3FAE]  }
0x31: {  	[smem:$0x3FB7] =	sst s10  }
0x32: {  	s10 =	sld [smem:$0x3FB5];
	_ =	sdelay $0x3  }
0x33: {  	p0 =	seq.s32 s10, $0x1;
	s10 =	sld [smem:$0x3FB7];
	_ =	sdelay $0x3  }
0x34: {  	[smem:$0x3FB7] =	sst s10  }
0x35: {  	s10 =	sld [smem:$0x3FB6];
	_ =	sdelay $0x3  }
0x36: {  	p1 =	seq.s32 s10, $0x1;
	s10 =	sld [smem:$0x3FB7];
	_ =	sdelay $0x3  }
0x37: {  	[smem:$0x3FB7] =	sst s10  }
0x38: {  	s10 =	sld [smem:$0x3FB8]  }
0x39: {  	_ = 	snop;
	(pc) =	sbr.ind lr, $3  }
0x3a: {  	_ = 	snop  }
0x3b: {  	_ = 	snop  }
0x3c: {  	p2 =	seq.s32 s10, $0x1;
	s10 =	sld [smem:$0x3FB7]  }
0x3d: {  	_ =	shalt  }
0x3e: {  	_ =	shalt  }
0x3f: {  	_ =	shalt  }
0x40: {  	_ =	shalt  }
0x41: {  	_ =	shalt  }
0x42: {  	_ =	shalt  }
0x43: {  	_ =	shalt  }
0x44: {  	_ =	shalt  }
0x45: {  	_ =	shalt  }
0x46: {  	_ =	shalt  }
0x47: {  	_ =	shalt  }
0x48: {  	_ =	shalt  }
0x49: {  	_ =	shalt  }
0x4a: {  	_ =	shalt  }
0x4b: {  	_ =	shalt  }
0x4c: {  	_ =	shalt  }
0x4d: {  	_ =	shalt  }
0x4e: {  	_ =	shalt  }
0x4f: {  	_ =	shalt  }
0x50: {  	_ =	shalt  }
0x51: {  	_ =	shalt  }
0x52: {  	_ =	shalt  }
0x53: {  	_ =	shalt  }
0x54: {  	_ =	shalt  }
0x55: {  	_ =	shalt  }
0x56: {  	_ =	shalt  }
0x57: {  	_ =	shalt  }
0x58: {  	_ =	shalt  }
0x59: {  	_ =	shalt  }
0x5a: {  	_ =	shalt  }
0x5b: {  	_ =	shalt  }
0x5c: {  	_ =	shalt  }
0x5d: {  	_ =	shalt  }
0x5e: {  	_ =	shalt  }
0x5f: {  	_ =	shalt  }
0x60: {  	_ =	shalt  }
0x61: {  	_ =	shalt  }
0x62: {  	_ =	shalt  }
0x63: {  	_ =	shalt  }
0x64: {  	_ =	shalt  }
0x65: {  	_ =	shalt  }
0x66: {  	_ =	shalt  }
0x67: {  	_ =	shalt  }
0x68: {  	_ =	shalt  }
0x69: {  	_ =	shalt  }
0x6a: {  	_ =	shalt  }
0x6b: {  	_ =	shalt  }
0x6c: {  	_ =	shalt  }
0x6d: {  	_ =	shalt  }
0x6e: {  	_ =	shalt  }
0x6f: {  	_ =	shalt  }
0x70: {  	_ =	shalt  }
0x71: {  	_ =	shalt  }
0x72: {  	_ =	shalt  }
0x73: {  	_ =	shalt  }
0x74: {  	_ =	shalt  }
0x75: {  	_ =	shalt  }
0x76: {  	_ =	shalt  }
0x77: {  	_ =	shalt  }
0x78: {  	_ =	shalt  }
0x79: {  	_ =	shalt  }
0x7a: {  	_ =	shalt  }
0x7b: {  	_ =	shalt  }
0x7c: {  	_ =	shalt  }
0x7d: {  	_ =	shalt  }
0x7e: {  	_ =	shalt  }
0x7f: {  	_ =	shalt  }
0x80: {  	_ =	shalt  }
0x81: {  	_ =	shalt  }
0x82: {  	_ =	shalt  }
0x83: {  	_ =	shalt  }
0x84: {  	_ =	shalt  }
0x85: {  	_ =	shalt  }
0x86: {  	_ =	shalt  }
0x87: {  	_ =	shalt  }
.Lfunc_end0:
.L_simem_size_0:
called_computation_lowered:
.L_overlay_start_0:
0x88: {  	s2 =	sld [smem:$0x3FD9]  }
0x89: {  	s3 =	sld [smem:$0x3FFE];
	_ =	sdelay $0x1  }
0x8a: {  	s1 =	srdreg.scid  }
0x8b: {  	s0 =	sand.u32 $0x1, s1  }
0x8c: {  	s17 =	sshll.u32 s0, $0xA;
	s2 =	sadd.s32 s3, s2  }
0x8d: {  	s2 =	sadd.s32 s2, s17  }
0x8e: {  	[smem:$0x3FC3] =	sst s2  }
0x8f: {  	_ = 	snop  }
0x90: {  	s2 =	sld [smem:$0x3FC9]  }
0x91: {  	s18 =	sld [smem:$0x3FC7]  }
0x92: {  	s4 =	sld [smem:$0x3FC6]  }
0x93: {  	s5 =	sld [smem:$0x3FC5]  }
0x94: {  	s6 =	sld [smem:$0x3FD0];
	(tm) =	ssettm $0x1  }
0x95: {  	s7 =	sld [smem:$0x3FFB];
	_ =	sdelay $0x3  }
0x96: {  	_ =	strace s7  }
0x97: {  	s7 =	sld [smem:$0x3FFC];
	_ =	sdelay $0x3  }
0x98: {  	_ =	strace s7  }
0x99: {  	s7 =	sld [smem:$0x3FFD];
	_ =	sdelay $0x3  }
0x9a: {  	_ =	strace s7  }
0x9b: {  	_ =	strace $0x8FFFFFFF  }
0x9c: {  	s19 =	sld [smem:$0x3FDB];
	_ =	sdelay $0x1  }
0x9d: {  	s8 =	simm.s32 $_scs_section_size  }
0x9e: {  	s9 =	simm.s32 $_size__tile_overlayer_lowered;
	s10 =	simm.s32 $_tile_overlayer_lowered  }
0x9f: {  	s22 =	simm.s32 $0x1BFF;
	s21 =	sshll.u32 s10, $0x1;
	s7 =	sadd.s32 s8, s19  }
0xa0: {  	s11 =	simm.s32 $0x0;
	s20 =	sshll.u32 s9, $0x1;
	s9 =	sadd.s32 s21, s7  }
0xa1: {  	[timem:s11], [sflag:s22] =	dma.local [hbm:s9], s20  }
0xa2: {  	_ =	swait.ge [sflag:s22], s20  }
0xa3: {  	s8 =	ssub.s32 $0x0, s20;
	[sflag:s22] =	ssyncset.done $0x0  }
0xa4: {  	[sflag:s22] =	ssyncadd.s32 s8;
	_ =	sdelay $0x1  }
0xa5: {  	s23 =	simm.s32 $0x1B8B  }
0xa6: {  	_ =	swait.ge [sflag:s23], $0x1  }
0xa7: {  	[sflag:s23] =	ssyncset.done $0x0  }
0xa8: {  	s25 =	simm.s32 $0x1B8E;
	s24 =	sld [smem:$0x3FFE];
	[sflag:s23] =	ssyncadd.s32 $0xFFFFFFFF  }
0xa9: {  	s26 =	simm.s32 $execute0_lowered;
	[smem:$0x3FD2] =	sst s25  }
0xaa: {  	s9 =	sshll.u32 s26, $0x1;
	_ =	strace $0x80000046;
	[dreg:$0x1] =	wrdreg $0xFFFFFFFF  }
0xab: {  	s28 =	simm.s32 $_size_execute0_lowered;
	s7 =	sadd.s32 s7, s9;
	[dreg:$0x0] =	wrdreg $0x0  }
0xac: {  	s9 =	sshll.u32 s28, $0x1;
	[dreg:$0x2] =	wrdreg s7  }
0xad: {  	[dreg:$0x3] =	wrdreg s9  }
0xae: {  	[dreg:$0x4] =	wrdreg $0xC0  }
0xaf: {  	_ =	task [dreg:s11], $0x5FFFF  }
0xb0: {  	[dreg:$0x1] =	wrdreg $0xFFFFFFFF  }
0xb1: {  	[dreg:$0x0] =	wrdreg $0x60  }
0xb2: {  	[dreg:$0x2] =	wrdreg s2  }
0xb3: {  	[dreg:$0x3] =	wrdreg s24  }
0xb4: {  	[dreg:$0x4] =	wrdreg s18  }
0xb5: {  	[dreg:$0x5] =	wrdreg s4  }
0xb6: {  	[dreg:$0x6] =	wrdreg s5  }
0xb7: {  	[dreg:$0x7] =	wrdreg s6  }
0xb8: {  	[dreg:$0x8] =	wrdreg $0x8C000  }
0xb9: {  	[dreg:$0x9] =	wrdreg $0x9  }
0xba: {  	_ =	task.clear_ibuf [dreg:s11], $0xAFFFF;
	_ =	strace $0x90000046  }
0xbb: {  	s29 =	simm.s32 $0x9;
	_ =	strace $0x80000048  }
0xbc: {  	_ =	swait.ge [sflag:s29], $0x1  }
0xbd: {  	[sflag:s29] =	ssyncadd.s32 $0xFFFFFFFF  }
0xbe: {  	_ =	strace $0x90000048  }
0xbf: {  	_ =	sfence  }
0xc0: {  	s30 =	sld [smem:$0x0];
	_ =	sdelay $0x2  }
0xc1: {  	s31 =	sshll.u32 s1, $0xD;
	s1 =	sshrl.u32 s1, $0x2  }
0xc2: {  	s3 =	sand.u32 $0x4000, s31;
	s1 =	sadd.s32 s1, s30  }
0xc3: {  	s0 =	sor.u32 s3, s0;
	s1 =	sshll.u32 s1, $0x11  }
0xc4: {  	s0 =	sor.u32 s1, s0  }
0xc5: {  	s0 =	sadd.s32 $0x8F2B, s0  }
0xc6: {  	[sflag:s0] =	ssyncadd.remote.s32 $0x1  }
0xc7: {  	_ =	sfence.sel $0xFFFF  }
0xc8: {  	[dreg:$0x0] =	wrdreg $0xFFFFFFFF;
	(pc) =	sbr.abs _section_cstart, $3  }
0xc9: {  	[dreg:$0x1] =	wrdreg $0xFFFFFFFF  }
0xca: {  	_ =	task.clear_ibuf [dreg:s11], $0x2FFFF;
	_ =	strace $0x9FFFFFFF  }
0xcb: {  	(tm) =	ssettm $0x7FFFFFFF  }
tec
execute0_lowered:
.L_overlay_start_1:
0x0: {  	(tag) =	ssettag $0x1  }
0x1: {  	s7 =	rddreg [dreg:$0x0]  }
0x2: {  	s0 =	rddreg [dreg:$0x1]  }
0x3: {  	s25 =	rddreg [dreg:$0x2]  }
0x4: {  	s2 =	rddreg [dreg:$0x3]  }
0x5: {  	s9 =	rddreg [dreg:$0x4]  }
0x6: {  	s10 =	rddreg [dreg:$0x5];
	s1 =	srdreg.scid  }
0x7: {  	s3 =	rddreg [dreg:$0x6];
	s5 =	stileid.u32  }
0x8: {  	s11 =	simm.s32 $0x0;
	s31 =	simm.s32 $0x1;
	s28 =	simm.s32 $0x4  }
0x9: {  	s1 =	sand.u32 $0x1, s1;
	s4 =	sshll.u32 s5, $0xB;
	[smem:$0x7FF] =	sst s11  }
0xa: {  	s23 =	sshll.u32 s5, $0xE;
	s14 =	sadd.s32 $0x100, s25;
	s15 =	sadd.s32 $0x200, s25  }
0xb: {  	s16 =	sadd.s32 $0x300, s25;
	s17 =	sadd.s32 $0x100, s2;
	s18 =	sadd.s32 $0x200, s2  }
0xc: {  	s19 =	sadd.s32 $0x300, s2;
	s20 =	sadd.s32 $0x100, s9;
	s2 =	simm.s32 $0x0  }
0xd: {  	s6 =	sshll.u32 s1, $0xA;
	s1 =	ssub.s32 $0x2, s1;
	_ =	strace $0x80000047  }
0xe: {  	s3 =	sadd.s32 s23, s3;
	s8 =	sor.u32 s6, s4;
	s21 =	sshrl.u32 s1, $0x1  }
0xf: {  	s29 =	sadd.s32 $0x2000, s3;
	s4 =	sshrl.u32 s8, $0x3;
	s24 =	sshll.u32 s8, $0x7  }
0x10: {  	s1 =	ssub.s32 s1, s21;
	[dreg:$0xc] =	wrdreg s29;
	s26 =	sadd.s32 s7, s24  }
0x11: {  	s0 =	sadd.s32 s4, s0;
	s30 =	smax.u32 s1, $0x1;
	[dreg:$0xb] =	wrdreg s26  }
0x12: {  	s23 =	smov.u32 s3;
	s4 =	sadd.s32 $0x2600, s0;
	[dreg:$0xe] =	wrdreg s30  }
0x13: {  	s3 =	simm.s32 $0x5;
	s22 =	sadd.s32 $0x1600, s0;
	[dreg:$0x8] =	wrdreg s4  }
0x14: {  	v0 =	vlaneseq.u32;
	s21 =	sadd.s32 $0x200, s9;
	s0 =	sadd.s32 $0x600, s0;
	[dreg:$0x9] =	wrdreg s22  }
0x15: {  	v1 =	vshrl.u32 v0, $0x3;
	[dreg:$0xa] =	wrdreg s0;
	s22 =	sadd.s32 $0x300, s9;
	s0 =	sadd.s32 s10, s24  }
0x16: {  	vm0 =	vmmov $0xffff;
	v0 =	vand.u32 $0x7, v0;
	v1 =	vmul.u32 $0x8, v1;
	s24 =	simm.s32 $0x3;
	s4 =	simm.s32 $0x2;
	[dreg:$0xd] =	wrdreg s0  }
.LBB2_1:
0x17: {  	[dreg:$0xf] =	wrdreg s2  }
0x18: {  	s1 =	simm.s32 $0x0;
	s0 =	rddreg [dreg:$0x8];
	s12 =	simm.s32 $0xA  }
0x19: {  	[tilespmem:s1], [sflag:$0xA] =	stream.linear.gather [hbm4b:s0+s1], $0x400, $0x38;
	[tilespmem:$0x18C00] =	vst v63  }
0x1a: {  	_ =	swait.ge [sflag:s12], $0x400  }
0x1b: {  	[sflag:s12] =	ssyncset.done $0x0  }
0x1c: {  	s5 =	simm.s32 $0x400;
	s13 =	rddreg [dreg:$0x9];
	[sflag:s12] =	ssyncadd.s32 $0xFFFFFC00  }
0x1d: {  	[tilespmem:s5], [sflag:$0xA] =	stream.linear.gather [hbm4b:s13+s1], $0x400, $0x38;
	[tilespmem:$0x18C00] =	vst v63  }
0x1e: {  	_ =	swait.ge [sflag:s12], $0x400  }
0x1f: {  	s29 =	simm.s32 $0x800;
	s6 =	stileid.u32;
	[sflag:s12] =	ssyncset.done $0x0  }
0x20: {  	s0 =	sshll.u32 s6, $0x6;
	s26 =	rddreg [dreg:$0xa];
	[sflag:s12] =	ssyncadd.s32 $0xFFFFFC00  }
0x21: {  	[tilespmem:s29], [sflag:$0xA] =	stream.linear.gather [hbm4b:s26+s1], $0x400, $0x38;
	[tilespmem:$0x18C00] =	vst v63  }
0x22: {  	s9 =	sor.u32 $0x1C03, s0;
	_ =	swait.ge [sflag:s12], $0x400;
	[dreg:$0x10] =	wrdreg s0  }
0x23: {  	s10 =	sshrl.u32 s23, $0x3;
	[dreg:$0x11] =	wrdreg s9  }
0x24: {  	[dreg:$0x12] =	wrdreg s10;
	[sflag:s12] =	ssyncset.done $0x0  }
0x25: {  	s11 =	rddreg [dreg:$0xb];
	[sflag:s12] =	ssyncadd.s32 $0xFFFFFC00  }
0x26: {  	[spmem:s10], [sflag:s9] =	dma.local [hbm:s11], $0x400  }
0x27: {  	v2 =	vld.msk [tilespmem:$0x0], $0xff;
	_ =	sdelay $0x4  }
0x28: {  	v3 =	vshll.u32 v2, $0x3  }
0x29: {  	v2 =	vand.u32 $0x7, v2;
	v3 =	vand.u32 $0xFFFFFFC0, v3  }
0x2a: {  	v2 =	vor.u32 v2, v3  }
0x2b: {  	v2 =	vperm.xlane v2, v0;
	_ =	sdelay $0x1  }
0x2c: {  	v2 =	vadd.s32 v1, v2;
	_ =	sdelay $0x3  }
0x2d: {  	s12 =	simm.s32 $0xCC00  }
0x2e: {  	[tilespmem:s12], [sflag:$0x1] =	stream.indirect_vreg.gather [hbm4b:s25+s1], $0x80, v2, vm0, $0xb8;
	[tilespmem:$0x18C00] =	vst v63  }
0x2f: {  	s13 =	simm.s32 $0xD400  }
0x30: {  	[tilespmem:s13], [sflag:$0x1] =	stream.indirect_vreg.gather [hbm4b:s14+s1], $0x80, v2, vm0, $0xb8;
	[tilespmem:$0x18C00] =	vst v63  }
0x31: {  	s26 =	simm.s32 $0xDC00  }
0x32: {  	[tilespmem:s26], [sflag:$0x1] =	stream.indirect_vreg.gather [hbm4b:s15+s1], $0x80, v2, vm0, $0xb8;
	[tilespmem:$0x18C00] =	vst v63  }
0x33: {  	s29 =	simm.s32 $0xE400  }
0x34: {  	[tilespmem:s29], [sflag:$0x1] =	stream.indirect_vreg.gather [hbm4b:s16+s1], $0x80, v2, vm0, $0xb8;
	[tilespmem:$0x18C00] =	vst v63  }
0x35: {  	v2 =	vld.msk [tilespmem:$0x400], $0xff;
	_ =	sdelay $0x4  }
0x36: {  	v3 =	vshll.u32 v2, $0x3  }
0x37: {  	v2 =	vand.u32 $0x7, v2;
	v3 =	vand.u32 $0xFFFFFFC0, v3  }
0x38: {  	v2 =	vor.u32 v2, v3  }
0x39: {  	v2 =	vperm.xlane v2, v0;
	_ =	sdelay $0x1  }
0x3a: {  	v2 =	vadd.s32 v1, v2;
	_ =	sdelay $0x3  }
0x3b: {  	s5 =	simm.s32 $0x10C00;
	s2 =	rddreg [dreg:$0x3]  }
0x3c: {  	[tilespmem:s5], [sflag:$0x1] =	stream.indirect_vreg.gather [hbm4b:s2+s1], $0x80, v2, vm0, $0xb8;
	[tilespmem:$0x18C00] =	vst v63  }
0x3d: {  	s6 =	simm.s32 $0x11400  }
0x3e: {  	[tilespmem:s6], [sflag:$0x1] =	stream.indirect_vreg.gather [hbm4b:s17+s1], $0x80, v2, vm0, $0xb8;
	[tilespmem:$0x18C00] =	vst v63  }
0x3f: {  	s9 =	simm.s32 $0x11C00  }
0x40: {  	[tilespmem:s9], [sflag:$0x1] =	stream.indirect_vreg.gather [hbm4b:s18+s1], $0x80, v2, vm0, $0xb8;
	[tilespmem:$0x18C00] =	vst v63  }
0x41: {  	s10 =	simm.s32 $0x12400  }
0x42: {  	[tilespmem:s10], [sflag:$0x1] =	stream.indirect_vreg.gather [hbm4b:s19+s1], $0x80, v2, vm0, $0xb8;
	[tilespmem:$0x18C00] =	vst v63  }
0x43: {  	v2 =	vld.msk [tilespmem:$0x800], $0xff;
	_ =	sdelay $0x4  }
0x44: {  	v3 =	vshll.u32 v2, $0x3  }
0x45: {  	v2 =	vand.u32 $0x7, v2;
	v3 =	vand.u32 $0xFFFFFFC0, v3  }
0x46: {  	v2 =	vor.u32 v2, v3  }
0x47: {  	v2 =	vperm.xlane v2, v0;
	_ =	sdelay $0x1  }
0x48: {  	v2 =	vadd.s32 v1, v2;
	_ =	sdelay $0x3  }
0x49: {  	s11 =	rddreg [dreg:$0x4];
	s12 =	simm.s32 $0x14C00  }
0x4a: {  	[tilespmem:s12], [sflag:$0x1] =	stream.indirect_vreg.gather [hbm4b:s11+s1], $0x80, v2, vm0, $0xb8;
	[tilespmem:$0x18C00] =	vst v63  }
0x4b: {  	s13 =	simm.s32 $0x15400  }
0x4c: {  	[tilespmem:s13], [sflag:$0x1] =	stream.indirect_vreg.gather [hbm4b:s20+s1], $0x80, v2, vm0, $0xb8;
	[tilespmem:$0x18C00] =	vst v63  }
0x4d: {  	s26 =	simm.s32 $0x15C00  }
0x4e: {  	[tilespmem:s26], [sflag:$0x1] =	stream.indirect_vreg.gather [hbm4b:s21+s1], $0x80, v2, vm0, $0xb8;
	[tilespmem:$0x18C00] =	vst v63  }
0x4f: {  	s30 =	simm.s32 $0x0;
	s29 =	simm.s32 $0x16400  }
0x50: {  	[tilespmem:s29], [sflag:$0x1] =	stream.indirect_vreg.gather [hbm4b:s22+s1], $0x80, v2, vm0, $0xb8;
	[tilespmem:$0x18C00] =	vst v63  }
.LBB2_2:
0x51: {  	p0 =	seq.s32 s30, $0x0  }
0x52: {  	s29 =	sshll.u32 s30, $0x5;
	s0 =	simm.s32 @!p0 $0x7  }
0x53: {  	s1 =	sor.u32 $0x8, s29;
	_ =	swait.ge @!p0 [sflag:s0], $0x2000  }
0x54: {  	s6 =	sor.u32 s8, s1;
	[sflag:s0] =	ssyncset.done @!p0 $0x0;
	s2 =	rddreg [dreg:$0x10]  }
0x55: {  	s9 =	sshll.u32 s6, $0x7;
	s26 =	rddreg [dreg:$0xc];
	[sflag:s0] =	ssyncadd.s32 @!p0 $0xFFFFE000  }
0x56: {  	s12 =	sadd.s32 s7, s9;
	s11 =	sor.u32 $0x1C04, s2;
	s13 =	sshrl.u32 s26, $0x3  }
0x57: {  	[spmem:s13], [sflag:s11] =	dma.local [hbm:s12], $0x400  }
0x58: {  	v2 =	vld.msk [tilespmem:s1+$0x0], $0xff;
	_ =	sdelay $0x4  }
0x59: {  	v3 =	vshll.u32 v2, $0x3  }
0x5a: {  	v2 =	vand.u32 $0x7, v2;
	v3 =	vand.u32 $0xFFFFFFC0, v3  }
0x5b: {  	v2 =	vor.u32 v2, v3  }
0x5c: {  	v2 =	vperm.xlane v2, v0;
	_ =	sdelay $0x1  }
0x5d: {  	v2 =	vadd.s32 v1, v2;
	_ =	sdelay $0x3  }
0x5e: {  	s26 =	simm.s32 $0x0;
	s1 =	simm.s32 $0xEC00  }
0x5f: {  	[tilespmem:s1], [sflag:$0x2] =	stream.indirect_vreg.gather [hbm4b:s25+s26], $0x80, v2, vm0, $0xb8;
	[tilespmem:$0x18C00] =	vst v63  }
0x60: {  	s2 =	simm.s32 $0xF400  }
0x61: {  	[tilespmem:s2], [sflag:$0x2] =	stream.indirect_vreg.gather [hbm4b:s14+s26], $0x80, v2, vm0, $0xb8;
	[tilespmem:$0x18C00] =	vst v63  }
0x62: {  	s5 =	simm.s32 $0xFC00  }
0x63: {  	[tilespmem:s5], [sflag:$0x2] =	stream.indirect_vreg.gather [hbm4b:s15+s26], $0x80, v2, vm0, $0xb8;
	[tilespmem:$0x18C00] =	vst v63  }
0x64: {  	s6 =	simm.s32 $0x10400  }
0x65: {  	[tilespmem:s6], [sflag:$0x2] =	stream.indirect_vreg.gather [hbm4b:s16+s26], $0x80, v2, vm0, $0xb8;
	[tilespmem:$0x18C00] =	vst v63  }
0x66: {  	v2 =	vld.msk [tilespmem:s29+$0x408], $0xff;
	_ =	sdelay $0x4  }
0x67: {  	v3 =	vshll.u32 v2, $0x3  }
0x68: {  	v2 =	vand.u32 $0x7, v2;
	v3 =	vand.u32 $0xFFFFFFC0, v3  }
0x69: {  	v2 =	vor.u32 v2, v3  }
0x6a: {  	v2 =	vperm.xlane v2, v0;
	_ =	sdelay $0x1  }
0x6b: {  	v2 =	vadd.s32 v1, v2;
	_ =	sdelay $0x3  }
0x6c: {  	s12 =	smov.u32 s25;
	s10 =	rddreg [dreg:$0x3];
	s25 =	simm.s32 $0x12C00  }
0x6d: {  	[tilespmem:s25], [sflag:$0x2] =	stream.indirect_vreg.gather [hbm4b:s10+s26], $0x80, v2, vm0, $0xb8;
	[tilespmem:$0x18C00] =	vst v63  }
0x6e: {  	s1 =	simm.s32 $0x13400  }
0x6f: {  	[tilespmem:s1], [sflag:$0x2] =	stream.indirect_vreg.gather [hbm4b:s17+s26], $0x80, v2, vm0, $0xb8;
	[tilespmem:$0x18C00] =	vst v63  }
0x70: {  	s2 =	simm.s32 $0x13C00  }
0x71: {  	[tilespmem:s2], [sflag:$0x2] =	stream.indirect_vreg.gather [hbm4b:s18+s26], $0x80, v2, vm0, $0xb8;
	[tilespmem:$0x18C00] =	vst v63  }
0x72: {  	s5 =	simm.s32 $0x14400  }
0x73: {  	[tilespmem:s5], [sflag:$0x2] =	stream.indirect_vreg.gather [hbm4b:s19+s26], $0x80, v2, vm0, $0xb8;
	[tilespmem:$0x18C00] =	vst v63  }
0x74: {  	v2 =	vld.msk [tilespmem:s29+$0x808], $0xff;
	_ =	sdelay $0x4  }
0x75: {  	v3 =	vshll.u32 v2, $0x3  }
0x76: {  	v2 =	vand.u32 $0x7, v2;
	v3 =	vand.u32 $0xFFFFFFC0, v3  }
0x77: {  	v2 =	vor.u32 v2, v3  }
0x78: {  	v2 =	vperm.xlane v2, v0;
	_ =	sdelay $0x1  }
0x79: {  	v2 =	vadd.s32 v1, v2;
	_ =	sdelay $0x3  }
0x7a: {  	s6 =	rddreg [dreg:$0x4];
	s10 =	simm.s32 $0x16C00  }
0x7b: {  	[tilespmem:s10], [sflag:$0x2] =	stream.indirect_vreg.gather [hbm4b:s6+s26], $0x80, v2, vm0, $0xb8;
	[tilespmem:$0x18C00] =	vst v63  }
0x7c: {  	s25 =	simm.s32 $0x17400  }
0x7d: {  	[tilespmem:s25], [sflag:$0x2] =	stream.indirect_vreg.gather [hbm4b:s20+s26], $0x80, v2, vm0, $0xb8;
	[tilespmem:$0x18C00] =	vst v63  }
0x7e: {  	s1 =	simm.s32 $0x17C00  }
0x7f: {  	[tilespmem:s1], [sflag:$0x2] =	stream.indirect_vreg.gather [hbm4b:s21+s26], $0x80, v2, vm0, $0xb8;
	[tilespmem:$0x18C00] =	vst v63  }
0x80: {  	s2 =	simm.s32 $0x18400  }
0x81: {  	[tilespmem:s2], [sflag:$0x2] =	stream.indirect_vreg.gather [hbm4b:s22+s26], $0x80, v2, vm0, $0xb8;
	[tilespmem:$0x18C00] =	vst v63  }
0x82: {  	_ =	swait.ge [sflag:s24], $0x400  }
0x83: {  	[sflag:s24] =	ssyncset.done $0x0  }
0x84: {  	s5 =	simm.s32 $0xC00;
	[sflag:s24] =	ssyncadd.s32 $0xFFFFFC00  }
0x85: {  	[tilespmem:s5], [sflag:$0x5] =	stream.linear.gather [spmem:s23], $0x2000, $0x38;
	[tilespmem:$0x18C00] =	vst v63  }
0x86: {  	_ =	swait.ge [sflag:s31], $0x2000  }
0x87: {  	[sflag:s31] =	ssyncset.done $0x0  }
0x88: {  	[sflag:s31] =	ssyncadd.s32 $0xFFFFE000  }
0x89: {  	_ =	swait.ge [sflag:s31], $0x2000  }
0x8a: {  	[sflag:s31] =	ssyncset.done $0x0  }
0x8b: {  	[sflag:s31] =	ssyncadd.s32 $0xFFFFE000  }
0x8c: {  	_ =	swait.ge [sflag:s31], $0x2000  }
0x8d: {  	[sflag:s31] =	ssyncset.done $0x0  }
0x8e: {  	[sflag:s31] =	ssyncadd.s32 $0xFFFFE000  }
0x8f: {  	s6 =	sand.u32 $0x1C00, s26;
	_ =	swait.ge [sflag:s3], $0x2000  }
0x90: {  	s10 =	sor.u32 s6, s26;
	[sflag:s3] =	ssyncset.done $0x0  }
0x91: {  	s1 =	sor.u32 $0x70, s10;
	[sflag:s3] =	ssyncadd.s32 $0xFFFFE000  }
0x92: {  	s25 =	sand.u32 $0x380, s26;
	v2 =	vld [tilespmem:s1+$0xCC00]  }
0x93: {  	s6 =	sor.u32 s25, s6;
	v3 =	vld [tilespmem:s1+$0x10C00]  }
0x94: {  	v4 =	vld [tilespmem:s6+$0xCC00]  }
0x95: {  	v5 =	vld [tilespmem:s1+$0x14C00]  }
0x96: {  	v6 =	vld [tilespmem:s6+$0x10C00]  }
0x97: {  	v7 =	vld [tilespmem:s6+$0xCC10]  }
0x98: {  	v8 =	vld [tilespmem:s6+$0x10C10]  }
0x99: {  	v9 =	vld [tilespmem:s6+$0x10C20]  }
0x9a: {  	v10 =	vld [tilespmem:s6+$0xCC40]  }
0x9b: {  	v11 =	vld [tilespmem:s6+$0x10C40]  }
0x9c: {  	v12 =	vld [tilespmem:s6+$0xCC50]  }
0x9d: {  	v13 =	vld [tilespmem:s6+$0x10C50]  }
0x9e: {  	v14 =	vld [tilespmem:s6+$0xCC60]  }
0x9f: {  	v15 =	vld [tilespmem:s6+$0x14C00]  }
0xa0: {  	v16 =	vld [tilespmem:s6+$0x10C60];
	v2 =	vadd.f32 v3, v2  }
0xa1: {  	v3 =	vld [tilespmem:s6+$0xCC20]  }
0xa2: {  	v4 =	vadd.f32 v6, v4;
	v6 =	vld [tilespmem:s6+$0x14C20];
	v2 =	vadd.f32 v5, v2  }
0xa3: {  	v5 =	vld [tilespmem:s6+$0xCC30]  }
0xa4: {  	[tilespmem:s1+$0xC00] =	vst.add.f32.msk $0xffff, v2  }
0xa5: {  	v2 =	vld [tilespmem:s6+$0x10C30]  }
0xa6: {  	v17 =	vld [tilespmem:s6+$0x14C10]  }
0xa7: {  	v18 =	vld [tilespmem:s6+$0x14C30]  }
0xa8: {  	v61 =	vld [tilespmem:s6+$0x14C40];
	v9 =	vadd.f32 v9, v3  }
0xa9: {  	v62 =	vld [tilespmem:s6+$0x14C50];
	v7 =	vadd.f32 v8, v7;
	v4 =	vadd.f32 v15, v4  }
0xaa: {  	v3 =	vld [tilespmem:s6+$0x14C60];
	v6 =	vadd.f32 v6, v9;
	v2 =	vadd.f32 v2, v5  }
0xab: {  	[tilespmem:s6+$0xC00] =	vst.add.f32.msk $0xffff, v4;
	v4 =	vadd.f32 v11, v10;
	v5 =	vadd.f32 v17, v7  }
0xac: {  	v7 =	vadd.f32 v13, v12;
	[tilespmem:s6+$0xC20] =	vst.add.f32.msk $0xffff, v6;
	v63 =	vadd.f32 v18, v2  }
0xad: {  	[tilespmem:s6+$0xC10] =	vst.add.f32.msk $0xffff, v5;
	v2 =	vadd.f32 v16, v14;
	v5 =	vadd.f32 v61, v4  }
0xae: {  	s0 =	simm.s32 $0x400;
	s10 =	simm.s32 $0x0;
	v4 =	vadd.f32 v62, v7;
	[tilespmem:s6+$0xC30] =	vst.add.f32.msk $0xffff, v63  }
.LBB2_3:
0xaf: {  	s1 =	sand.u32 $0x1C00, s0;
	[tilespmem:s6+$0xC40] =	vst.add.f32.msk $0xffff, v5;
	v2 =	vadd.f32 v3, v2;
	s26 =	sadd.s32 $0x10, s26  }
0xb0: {  	s10 =	sadd.s32 $0x8, s10;
	s2 =	sand.u32 $0x380, s26;
	s5 =	sor.u32 s1, s26;
	[tilespmem:s6+$0xC50] =	vst.add.f32.msk $0xffff, v4  }
0xb1: {  	p1 =	slt.u32 s10, $0x1F8;
	s5 =	sor.u32 $0x70, s5;
	[tilespmem:s6+$0xC60] =	vst.add.f32.msk $0xffff, v2;
	s6 =	sor.u32 s2, s1  }
0xb2: {  	v2 =	vld [tilespmem:s5+$0xCC00]  }
0xb3: {  	v3 =	vld [tilespmem:s5+$0x10C00]  }
0xb4: {  	v4 =	vld [tilespmem:s6+$0xCC00]  }
0xb5: {  	v5 =	vld [tilespmem:s5+$0x14C00]  }
0xb6: {  	v6 =	vld [tilespmem:s6+$0x10C00]  }
0xb7: {  	v7 =	vld [tilespmem:s6+$0xCC10]  }
0xb8: {  	v8 =	vld [tilespmem:s6+$0x10C10];
	v2 =	vadd.f32 v3, v2  }
0xb9: {  	v3 =	vld [tilespmem:s6+$0xCC20]  }
0xba: {  	v9 =	vld [tilespmem:s6+$0x10C20];
	v2 =	vadd.f32 v5, v2  }
0xbb: {  	v4 =	vadd.f32 v6, v4;
	v5 =	vld [tilespmem:s6+$0xCC30]  }
0xbc: {  	[tilespmem:s5+$0xC00] =	vst.add.f32.msk $0xffff, v2  }
0xbd: {  	v6 =	vadd.f32 v8, v7;
	v2 =	vld [tilespmem:s6+$0x10C30]  }
0xbe: {  	v7 =	vld [tilespmem:s6+$0xCC40]  }
0xbf: {  	v8 =	vadd.f32 v9, v3;
	v3 =	vld [tilespmem:s6+$0x10C40]  }
0xc0: {  	v9 =	vld [tilespmem:s6+$0xCC50]  }
0xc1: {  	v10 =	vld [tilespmem:s6+$0x10C50]  }
0xc2: {  	v5 =	vadd.f32 v2, v5;
	v2 =	vld [tilespmem:s6+$0xCC60]  }
0xc3: {  	v11 =	vld [tilespmem:s6+$0x10C60]  }
0xc4: {  	v12 =	vld [tilespmem:s6+$0x14C00];
	v7 =	vadd.f32 v3, v7  }
0xc5: {  	v3 =	vld [tilespmem:s6+$0x14C10]  }
0xc6: {  	v13 =	vld [tilespmem:s6+$0x14C20];
	v9 =	vadd.f32 v10, v9  }
0xc7: {  	v10 =	vld [tilespmem:s6+$0x14C30]  }
0xc8: {  	v14 =	vld [tilespmem:s6+$0x14C40];
	v2 =	vadd.f32 v11, v2  }
0xc9: {  	v4 =	vadd.f32 v12, v4;
	v11 =	vld [tilespmem:s6+$0x14C50]  }
.Ltmp0:
0xca: {  	v6 =	vadd.f32 v3, v6;
	v3 =	vld [tilespmem:s6+$0x14C60];
	(pc) =	sbr.rel @p1 .LBB2_3-.Ltmp0, $4  }
0xcb: {  	[tilespmem:s6+$0xC00] =	vst.add.f32.msk $0xffff, v4;
	v4 =	vadd.f32 v13, v8  }
0xcc: {  	[tilespmem:s6+$0xC10] =	vst.add.f32.msk $0xffff, v6;
	v6 =	vadd.f32 v10, v5  }
0xcd: {  	[tilespmem:s6+$0xC20] =	vst.add.f32.msk $0xffff, v4;
	v5 =	vadd.f32 v14, v7  }
0xce: {  	s0 =	sadd.s32 $0x400, s0;
	[tilespmem:s6+$0xC30] =	vst.add.f32.msk $0xffff, v6;
	v4 =	vadd.f32 v11, v9  }
0xcf: {  	[tilespmem:s6+$0xC40] =	vst.add.f32.msk $0xffff, v5;
	v2 =	vadd.f32 v3, v2  }
0xd0: {  	[tilespmem:s6+$0xC50] =	vst.add.f32.msk $0xffff, v4  }
0xd1: {  	[tilespmem:s6+$0xC60] =	vst.add.f32.msk $0xffff, v2  }
0xd2: {  	s0 =	sshll.u32 s30, $0xC;
	s1 =	rddreg [dreg:$0xd]  }
0xd3: {  	s5 =	simm.s32 $0x0;
	s2 =	simm.s32 $0xC00;
	s0 =	sadd.s32 s0, s1  }
0xd4: {  	[hbm4b:s0+s5] =	stream.linear.scatter [tilespmem:s2], [sflag:$0x6], $0x2000, $0x38;
	[tilespmem:$0x18C00] =	vst v63  }
0xd5: {  	s1 =	sor.u32 $0x10, s29;
	s0 =	simm.s32 @!p0 $0x8  }
0xd6: {  	s25 =	smov.u32 s7;
	s6 =	sor.u32 s8, s1;
	_ =	swait.ge @!p0 [sflag:s0], $0x2000  }
0xd7: {  	s26 =	sshll.u32 s6, $0x7;
	[sflag:s0] =	ssyncset.done @!p0 $0x0;
	s10 =	rddreg [dreg:$0x11]  }
0xd8: {  	s7 =	sadd.s32 s7, s26;
	s5 =	rddreg [dreg:$0x12];
	[sflag:s0] =	ssyncadd.s32 @!p0 $0xFFFFE000  }
0xd9: {  	[spmem:s5], [sflag:s10] =	dma.local [hbm:s7], $0x400  }
0xda: {  	v2 =	vld.msk [tilespmem:s1+$0x0], $0xff;
	_ =	sdelay $0x4  }
0xdb: {  	v3 =	vshll.u32 v2, $0x3  }
0xdc: {  	v2 =	vand.u32 $0x7, v2;
	v3 =	vand.u32 $0xFFFFFFC0, v3  }
0xdd: {  	v2 =	vor.u32 v2, v3  }
0xde: {  	v2 =	vperm.xlane v2, v0;
	_ =	sdelay $0x1  }
0xdf: {  	v2 =	vadd.s32 v1, v2;
	_ =	sdelay $0x3  }
0xe0: {  	s2 =	simm.s32 $0xCC00;
	s6 =	simm.s32 $0x0  }
0xe1: {  	[tilespmem:s2], [sflag:$0x1] =	stream.indirect_vreg.gather [hbm4b:s12+s6], $0x80, v2, vm0, $0xb8;
	[tilespmem:$0x18C00] =	vst v63  }
0xe2: {  	s5 =	simm.s32 $0xD400  }
0xe3: {  	[tilespmem:s5], [sflag:$0x1] =	stream.indirect_vreg.gather [hbm4b:s14+s6], $0x80, v2, vm0, $0xb8;
	[tilespmem:$0x18C00] =	vst v63  }
0xe4: {  	s7 =	simm.s32 $0xDC00  }
0xe5: {  	[tilespmem:s7], [sflag:$0x1] =	stream.indirect_vreg.gather [hbm4b:s15+s6], $0x80, v2, vm0, $0xb8;
	[tilespmem:$0x18C00] =	vst v63  }
0xe6: {  	s10 =	simm.s32 $0xE400  }
0xe7: {  	[tilespmem:s10], [sflag:$0x1] =	stream.indirect_vreg.gather [hbm4b:s16+s6], $0x80, v2, vm0, $0xb8;
	[tilespmem:$0x18C00] =	vst v63  }
0xe8: {  	v2 =	vld.msk [tilespmem:s29+$0x410], $0xff;
	_ =	sdelay $0x4  }
0xe9: {  	v3 =	vshll.u32 v2, $0x3  }
0xea: {  	v2 =	vand.u32 $0x7, v2;
	v3 =	vand.u32 $0xFFFFFFC0, v3  }
0xeb: {  	v2 =	vor.u32 v2, v3  }
0xec: {  	v2 =	vperm.xlane v2, v0;
	_ =	sdelay $0x1  }
0xed: {  	v2 =	vadd.s32 v1, v2;
	_ =	sdelay $0x3  }
0xee: {  	s1 =	rddreg [dreg:$0x3];
	s2 =	simm.s32 $0x10C00  }
0xef: {  	[tilespmem:s2], [sflag:$0x1] =	stream.indirect_vreg.gather [hbm4b:s1+s6], $0x80, v2, vm0, $0xb8;
	[tilespmem:$0x18C00] =	vst v63  }
0xf0: {  	s5 =	simm.s32 $0x11400  }
0xf1: {  	[tilespmem:s5], [sflag:$0x1] =	stream.indirect_vreg.gather [hbm4b:s17+s6], $0x80, v2, vm0, $0xb8;
	[tilespmem:$0x18C00] =	vst v63  }
0xf2: {  	s7 =	simm.s32 $0x11C00  }
0xf3: {  	[tilespmem:s7], [sflag:$0x1] =	stream.indirect_vreg.gather [hbm4b:s18+s6], $0x80, v2, vm0, $0xb8;
	[tilespmem:$0x18C00] =	vst v63  }
0xf4: {  	s10 =	simm.s32 $0x12400  }
0xf5: {  	[tilespmem:s10], [sflag:$0x1] =	stream.indirect_vreg.gather [hbm4b:s19+s6], $0x80, v2, vm0, $0xb8;
	[tilespmem:$0x18C00] =	vst v63  }
0xf6: {  	v2 =	vld.msk [tilespmem:s29+$0x810], $0xff;
	_ =	sdelay $0x4  }
0xf7: {  	v3 =	vshll.u32 v2, $0x3  }
0xf8: {  	v2 =	vand.u32 $0x7, v2;
	v3 =	vand.u32 $0xFFFFFFC0, v3  }
0xf9: {  	v2 =	vor.u32 v2, v3  }
0xfa: {  	v2 =	vperm.xlane v2, v0;
	_ =	sdelay $0x1  }
0xfb: {  	v2 =	vadd.s32 v1, v2;
	_ =	sdelay $0x3  }
0xfc: {  	s1 =	rddreg [dreg:$0x4];
	s2 =	simm.s32 $0x14C00  }
0xfd: {  	[tilespmem:s2], [sflag:$0x1] =	stream.indirect_vreg.gather [hbm4b:s1+s6], $0x80, v2, vm0, $0xb8;
	[tilespmem:$0x18C00] =	vst v63  }
0xfe: {  	s5 =	simm.s32 $0x15400  }
0xff: {  	[tilespmem:s5], [sflag:$0x1] =	stream.indirect_vreg.gather [hbm4b:s20+s6], $0x80, v2, vm0, $0xb8;
	[tilespmem:$0x18C00] =	vst v63  }
0x100: {  	s7 =	simm.s32 $0x15C00  }
0x101: {  	[tilespmem:s7], [sflag:$0x1] =	stream.indirect_vreg.gather [hbm4b:s21+s6], $0x80, v2, vm0, $0xb8;
	[tilespmem:$0x18C00] =	vst v63  }
0x102: {  	s10 =	simm.s32 $0x16400  }
0x103: {  	[tilespmem:s10], [sflag:$0x1] =	stream.indirect_vreg.gather [hbm4b:s22+s6], $0x80, v2, vm0, $0xb8;
	[tilespmem:$0x18C00] =	vst v63  }
0x104: {  	_ =	swait.ge [sflag:s28], $0x400  }
0x105: {  	[sflag:s28] =	ssyncset.done $0x0  }
0x106: {  	s2 =	simm.s32 $0x2C00;
	s1 =	rddreg [dreg:$0xc];
	[sflag:s28] =	ssyncadd.s32 $0xFFFFFC00  }
0x107: {  	[tilespmem:s2], [sflag:$0x5] =	stream.linear.gather [spmem:s1], $0x2000, $0x38;
	[tilespmem:$0x18C00] =	vst v63  }
0x108: {  	_ =	swait.ge [sflag:s4], $0x2000  }
0x109: {  	[sflag:s4] =	ssyncset.done $0x0  }
0x10a: {  	[sflag:s4] =	ssyncadd.s32 $0xFFFFE000  }
0x10b: {  	_ =	swait.ge [sflag:s4], $0x2000  }
0x10c: {  	[sflag:s4] =	ssyncset.done $0x0  }
0x10d: {  	[sflag:s4] =	ssyncadd.s32 $0xFFFFE000  }
0x10e: {  	_ =	swait.ge [sflag:s4], $0x2000  }
0x10f: {  	[sflag:s4] =	ssyncset.done $0x0  }
0x110: {  	[sflag:s4] =	ssyncadd.s32 $0xFFFFE000  }
0x111: {  	s5 =	sand.u32 $0x1C00, s6;
	_ =	swait.ge [sflag:s3], $0x2000  }
0x112: {  	s7 =	sor.u32 s5, s6;
	[sflag:s3] =	ssyncset.done $0x0  }
0x113: {  	s1 =	sor.u32 $0x2070, s7;
	[sflag:s3] =	ssyncadd.s32 $0xFFFFE000  }
0x114: {  	s10 =	sand.u32 $0x380, s6;
	v2 =	vld [tilespmem:s1+$0xCC00]  }
0x115: {  	s10 =	sor.u32 s10, s5;
	v3 =	vld [tilespmem:s1+$0x10C00]  }
0x116: {  	v4 =	vld [tilespmem:s10+$0xEC00]  }
0x117: {  	v5 =	vld [tilespmem:s1+$0x14C00]  }
0x118: {  	v6 =	vld [tilespmem:s10+$0x12C00]  }
0x119: {  	v7 =	vld [tilespmem:s10+$0xEC10]  }
0x11a: {  	v8 =	vld [tilespmem:s10+$0x12C10]  }
0x11b: {  	v9 =	vld [tilespmem:s10+$0x12C20]  }
0x11c: {  	v10 =	vld [tilespmem:s10+$0xEC40]  }
0x11d: {  	v11 =	vld [tilespmem:s10+$0x12C40]  }
0x11e: {  	v12 =	vld [tilespmem:s10+$0xEC50]  }
0x11f: {  	v13 =	vld [tilespmem:s10+$0x12C50]  }
0x120: {  	v14 =	vld [tilespmem:s10+$0xEC60]  }
0x121: {  	v15 =	vld [tilespmem:s10+$0x16C00]  }
0x122: {  	v16 =	vld [tilespmem:s10+$0x12C60];
	v2 =	vadd.f32 v3, v2  }
0x123: {  	v3 =	vld [tilespmem:s10+$0xEC20]  }
0x124: {  	v4 =	vadd.f32 v6, v4;
	v6 =	vld [tilespmem:s10+$0x16C20];
	v2 =	vadd.f32 v5, v2  }
0x125: {  	v5 =	vld [tilespmem:s10+$0xEC30]  }
0x126: {  	[tilespmem:s1+$0xC00] =	vst.add.f32.msk $0xffff, v2  }
0x127: {  	v2 =	vld [tilespmem:s10+$0x12C30]  }
0x128: {  	v17 =	vld [tilespmem:s10+$0x16C10]  }
0x129: {  	v18 =	vld [tilespmem:s10+$0x16C30]  }
0x12a: {  	v61 =	vld [tilespmem:s10+$0x16C40];
	v9 =	vadd.f32 v9, v3  }
0x12b: {  	v62 =	vld [tilespmem:s10+$0x16C50];
	v7 =	vadd.f32 v8, v7;
	v4 =	vadd.f32 v15, v4  }
0x12c: {  	v3 =	vld [tilespmem:s10+$0x16C60];
	v6 =	vadd.f32 v6, v9;
	v2 =	vadd.f32 v2, v5  }
0x12d: {  	[tilespmem:s10+$0x2C00] =	vst.add.f32.msk $0xffff, v4;
	v4 =	vadd.f32 v11, v10;
	v5 =	vadd.f32 v17, v7  }
0x12e: {  	v7 =	vadd.f32 v13, v12;
	[tilespmem:s10+$0x2C20] =	vst.add.f32.msk $0xffff, v6;
	v63 =	vadd.f32 v18, v2  }
0x12f: {  	[tilespmem:s10+$0x2C10] =	vst.add.f32.msk $0xffff, v5;
	v2 =	vadd.f32 v16, v14;
	v5 =	vadd.f32 v61, v4  }
0x130: {  	s0 =	simm.s32 $0x0;
	s1 =	simm.s32 $0x400;
	v4 =	vadd.f32 v62, v7;
	[tilespmem:s10+$0x2C30] =	vst.add.f32.msk $0xffff, v63  }
.LBB2_5:
0x131: {  	s2 =	sand.u32 $0x1C00, s1;
	[tilespmem:s10+$0x2C40] =	vst.add.f32.msk $0xffff, v5;
	v2 =	vadd.f32 v3, v2;
	s6 =	sadd.s32 $0x10, s6  }
0x132: {  	s0 =	sadd.s32 $0x8, s0;
	s5 =	sand.u32 $0x380, s6;
	s7 =	sor.u32 s2, s6;
	[tilespmem:s10+$0x2C50] =	vst.add.f32.msk $0xffff, v4  }
0x133: {  	p1 =	slt.u32 s0, $0x1F8;
	s7 =	sor.u32 $0x2070, s7;
	[tilespmem:s10+$0x2C60] =	vst.add.f32.msk $0xffff, v2;
	s10 =	sor.u32 s5, s2  }
0x134: {  	v2 =	vld [tilespmem:s7+$0xCC00]  }
0x135: {  	v3 =	vld [tilespmem:s7+$0x10C00]  }
0x136: {  	v4 =	vld [tilespmem:s10+$0xEC00]  }
0x137: {  	v5 =	vld [tilespmem:s7+$0x14C00]  }
0x138: {  	v6 =	vld [tilespmem:s10+$0x12C00]  }
0x139: {  	v7 =	vld [tilespmem:s10+$0xEC10]  }
0x13a: {  	v8 =	vld [tilespmem:s10+$0x12C10];
	v2 =	vadd.f32 v3, v2  }
0x13b: {  	v3 =	vld [tilespmem:s10+$0xEC20]  }
0x13c: {  	v9 =	vld [tilespmem:s10+$0x12C20];
	v2 =	vadd.f32 v5, v2  }
0x13d: {  	v4 =	vadd.f32 v6, v4;
	v5 =	vld [tilespmem:s10+$0xEC30]  }
0x13e: {  	[tilespmem:s7+$0xC00] =	vst.add.f32.msk $0xffff, v2  }
0x13f: {  	v6 =	vadd.f32 v8, v7;
	v2 =	vld [tilespmem:s10+$0x12C30]  }
0x140: {  	v7 =	vld [tilespmem:s10+$0xEC40]  }
0x141: {  	v8 =	vadd.f32 v9, v3;
	v3 =	vld [tilespmem:s10+$0x12C40]  }
0x142: {  	v9 =	vld [tilespmem:s10+$0xEC50]  }
0x143: {  	v10 =	vld [tilespmem:s10+$0x12C50]  }
0x144: {  	v5 =	vadd.f32 v2, v5;
	v2 =	vld [tilespmem:s10+$0xEC60]  }
0x145: {  	v11 =	vld [tilespmem:s10+$0x12C60]  }
0x146: {  	v12 =	vld [tilespmem:s10+$0x16C00];
	v7 =	vadd.f32 v3, v7  }
0x147: {  	v3 =	vld [tilespmem:s10+$0x16C10]  }
0x148: {  	v13 =	vld [tilespmem:s10+$0x16C20];
	v9 =	vadd.f32 v10, v9  }
0x149: {  	v10 =	vld [tilespmem:s10+$0x16C30]  }
0x14a: {  	v14 =	vld [tilespmem:s10+$0x16C40];
	v2 =	vadd.f32 v11, v2  }
0x14b: {  	v4 =	vadd.f32 v12, v4;
	v11 =	vld [tilespmem:s10+$0x16C50]  }
.Ltmp1:
0x14c: {  	v6 =	vadd.f32 v3, v6;
	v3 =	vld [tilespmem:s10+$0x16C60];
	(pc) =	sbr.rel @p1 .LBB2_5-.Ltmp1, $4  }
0x14d: {  	[tilespmem:s10+$0x2C00] =	vst.add.f32.msk $0xffff, v4;
	v4 =	vadd.f32 v13, v8  }
0x14e: {  	[tilespmem:s10+$0x2C10] =	vst.add.f32.msk $0xffff, v6;
	v6 =	vadd.f32 v10, v5  }
0x14f: {  	[tilespmem:s10+$0x2C20] =	vst.add.f32.msk $0xffff, v4;
	v5 =	vadd.f32 v14, v7  }
0x150: {  	s1 =	sadd.s32 $0x400, s1;
	[tilespmem:s10+$0x2C30] =	vst.add.f32.msk $0xffff, v6;
	v4 =	vadd.f32 v11, v9  }
0x151: {  	[tilespmem:s10+$0x2C40] =	vst.add.f32.msk $0xffff, v5;
	v2 =	vadd.f32 v3, v2  }
0x152: {  	s0 =	rddreg [dreg:$0x5];
	[tilespmem:s10+$0x2C50] =	vst.add.f32.msk $0xffff, v4  }
0x153: {  	s1 =	simm.s32 $0x0;
	s2 =	simm.s32 $0x2C00;
	s0 =	sadd.s32 s0, s9;
	[tilespmem:s10+$0x2C60] =	vst.add.f32.msk $0xffff, v2  }
0x154: {  	[hbm4b:s0+s1] =	stream.linear.scatter [tilespmem:s2], [sflag:$0x7], $0x2000, $0x38;
	[tilespmem:$0x18C00] =	vst v63  }
0x155: {  	s10 =	sor.u32 $0x18, s29;
	s0 =	simm.s32 @!p0 $0x9  }
0x156: {  	s5 =	sor.u32 s8, s10;
	_ =	swait.ge @!p0 [sflag:s0], $0x2000  }
0x157: {  	s9 =	sshll.u32 s5, $0x7;
	[sflag:s0] =	ssyncset.done @!p0 $0x0  }
0x158: {  	s6 =	sadd.s32 s25, s9;
	[sflag:s0] =	ssyncadd.s32 @!p0 $0xFFFFE000  }
0x159: {  	[spmem:s13], [sflag:s11] =	dma.local [hbm:s6], $0x400  }
0x15a: {  	v2 =	vld.msk [tilespmem:s10+$0x0], $0xff;
	_ =	sdelay $0x4  }
0x15b: {  	v3 =	vshll.u32 v2, $0x3  }
0x15c: {  	v2 =	vand.u32 $0x7, v2;
	v3 =	vand.u32 $0xFFFFFFC0, v3  }
0x15d: {  	v2 =	vor.u32 v2, v3  }
0x15e: {  	v2 =	vperm.xlane v2, v0;
	_ =	sdelay $0x1  }
0x15f: {  	v2 =	vadd.s32 v1, v2;
	_ =	sdelay $0x3  }
0x160: {  	s6 =	simm.s32 $0x0;
	s10 =	simm.s32 $0xEC00  }
0x161: {  	[tilespmem:s10], [sflag:$0x2] =	stream.indirect_vreg.gather [hbm4b:s12+s6], $0x80, v2, vm0, $0xb8;
	[tilespmem:$0x18C00] =	vst v63  }
0x162: {  	s11 =	simm.s32 $0xF400  }
0x163: {  	[tilespmem:s11], [sflag:$0x2] =	stream.indirect_vreg.gather [hbm4b:s14+s6], $0x80, v2, vm0, $0xb8;
	[tilespmem:$0x18C00] =	vst v63  }
0x164: {  	s7 =	smov.u32 s25;
	s25 =	smov.u32 s12;
	s12 =	simm.s32 $0xFC00  }
0x165: {  	[tilespmem:s12], [sflag:$0x2] =	stream.indirect_vreg.gather [hbm4b:s15+s6], $0x80, v2, vm0, $0xb8;
	[tilespmem:$0x18C00] =	vst v63  }
0x166: {  	s13 =	simm.s32 $0x10400  }
0x167: {  	[tilespmem:s13], [sflag:$0x2] =	stream.indirect_vreg.gather [hbm4b:s16+s6], $0x80, v2, vm0, $0xb8;
	[tilespmem:$0x18C00] =	vst v63  }
0x168: {  	v2 =	vld.msk [tilespmem:s29+$0x418], $0xff;
	_ =	sdelay $0x4  }
0x169: {  	v3 =	vshll.u32 v2, $0x3  }
0x16a: {  	v2 =	vand.u32 $0x7, v2;
	v3 =	vand.u32 $0xFFFFFFC0, v3  }
0x16b: {  	v2 =	vor.u32 v2, v3  }
0x16c: {  	v2 =	vperm.xlane v2, v0;
	_ =	sdelay $0x1  }
0x16d: {  	v2 =	vadd.s32 v1, v2;
	_ =	sdelay $0x3  }
0x16e: {  	s2 =	simm.s32 $0x12C00;
	s1 =	rddreg [dreg:$0x3]  }
0x16f: {  	[tilespmem:s2], [sflag:$0x2] =	stream.indirect_vreg.gather [hbm4b:s1+s6], $0x80, v2, vm0, $0xb8;
	[tilespmem:$0x18C00] =	vst v63  }
0x170: {  	s5 =	simm.s32 $0x13400  }
0x171: {  	[tilespmem:s5], [sflag:$0x2] =	stream.indirect_vreg.gather [hbm4b:s17+s6], $0x80, v2, vm0, $0xb8;
	[tilespmem:$0x18C00] =	vst v63  }
0x172: {  	s10 =	simm.s32 $0x13C00  }
0x173: {  	[tilespmem:s10], [sflag:$0x2] =	stream.indirect_vreg.gather [hbm4b:s18+s6], $0x80, v2, vm0, $0xb8;
	[tilespmem:$0x18C00] =	vst v63  }
0x174: {  	s11 =	simm.s32 $0x14400  }
0x175: {  	[tilespmem:s11], [sflag:$0x2] =	stream.indirect_vreg.gather [hbm4b:s19+s6], $0x80, v2, vm0, $0xb8;
	[tilespmem:$0x18C00] =	vst v63  }
0x176: {  	v2 =	vld.msk [tilespmem:s29+$0x818], $0xff;
	_ =	sdelay $0x4  }
0x177: {  	v3 =	vshll.u32 v2, $0x3  }
0x178: {  	v2 =	vand.u32 $0x7, v2;
	v3 =	vand.u32 $0xFFFFFFC0, v3  }
0x179: {  	v2 =	vor.u32 v2, v3  }
0x17a: {  	v2 =	vperm.xlane v2, v0;
	_ =	sdelay $0x1  }
0x17b: {  	v2 =	vadd.s32 v1, v2;
	_ =	sdelay $0x3  }
0x17c: {  	s12 =	rddreg [dreg:$0x4];
	s13 =	simm.s32 $0x16C00  }
0x17d: {  	[tilespmem:s13], [sflag:$0x2] =	stream.indirect_vreg.gather [hbm4b:s12+s6], $0x80, v2, vm0, $0xb8;
	[tilespmem:$0x18C00] =	vst v63  }
0x17e: {  	s1 =	simm.s32 $0x17400  }
0x17f: {  	[tilespmem:s1], [sflag:$0x2] =	stream.indirect_vreg.gather [hbm4b:s20+s6], $0x80, v2, vm0, $0xb8;
	[tilespmem:$0x18C00] =	vst v63  }
0x180: {  	s2 =	simm.s32 $0x17C00  }
0x181: {  	[tilespmem:s2], [sflag:$0x2] =	stream.indirect_vreg.gather [hbm4b:s21+s6], $0x80, v2, vm0, $0xb8;
	[tilespmem:$0x18C00] =	vst v63  }
0x182: {  	s5 =	simm.s32 $0x18400  }
0x183: {  	[tilespmem:s5], [sflag:$0x2] =	stream.indirect_vreg.gather [hbm4b:s22+s6], $0x80, v2, vm0, $0xb8;
	[tilespmem:$0x18C00] =	vst v63  }
0x184: {  	_ =	swait.ge [sflag:s24], $0x400  }
0x185: {  	[sflag:s24] =	ssyncset.done $0x0  }
0x186: {  	s11 =	simm.s32 $0x4C00;
	[sflag:s24] =	ssyncadd.s32 $0xFFFFFC00  }
0x187: {  	[tilespmem:s11], [sflag:$0x5] =	stream.linear.gather [spmem:s23], $0x2000, $0x38;
	[tilespmem:$0x18C00] =	vst v63  }
0x188: {  	_ =	swait.ge [sflag:s31], $0x2000  }
0x189: {  	[sflag:s31] =	ssyncset.done $0x0  }
0x18a: {  	[sflag:s31] =	ssyncadd.s32 $0xFFFFE000  }
0x18b: {  	_ =	swait.ge [sflag:s31], $0x2000  }
0x18c: {  	[sflag:s31] =	ssyncset.done $0x0  }
0x18d: {  	[sflag:s31] =	ssyncadd.s32 $0xFFFFE000  }
0x18e: {  	_ =	swait.ge [sflag:s31], $0x2000  }
0x18f: {  	[sflag:s31] =	ssyncset.done $0x0  }
0x190: {  	[sflag:s31] =	ssyncadd.s32 $0xFFFFE000  }
0x191: {  	s10 =	sand.u32 $0x1C00, s6;
	_ =	swait.ge [sflag:s3], $0x2000  }
0x192: {  	s12 =	sor.u32 s10, s6;
	[sflag:s3] =	ssyncset.done $0x0  }
0x193: {  	s1 =	sor.u32 $0x70, s12;
	[sflag:s3] =	ssyncadd.s32 $0xFFFFE000  }
0x194: {  	v2 =	vld [tilespmem:s1+$0xCC00]  }
0x195: {  	s13 =	sand.u32 $0x380, s6;
	v3 =	vld [tilespmem:s1+$0x10C00]  }
0x196: {  	s10 =	sor.u32 s13, s10;
	v4 =	vld [tilespmem:s1+$0x14C00]  }
0x197: {  	v5 =	vld [tilespmem:s10+$0x10C10]  }
0x198: {  	v6 =	vld [tilespmem:s10+$0xCC20]  }
0x199: {  	v7 =	vld [tilespmem:s10+$0x10C20]  }
0x19a: {  	v10 =	vld [tilespmem:s10+$0xCC30]  }
0x19b: {  	v13 =	vld [tilespmem:s10+$0x10C30]  }
0x19c: {  	v14 =	vld [tilespmem:s10+$0xCC40]  }
0x19d: {  	v15 =	vld [tilespmem:s10+$0x10C40];
	v2 =	vadd.f32 v3, v2  }
0x19e: {  	v16 =	vld [tilespmem:s10+$0xCC50]  }
0x19f: {  	v3 =	vld [tilespmem:s10+$0x10C00];
	v2 =	vadd.f32 v4, v2  }
0x1a0: {  	v4 =	vld [tilespmem:s10+$0xCC10]  }
0x1a1: {  	[tilespmem:s10+$0x4C70] =	vst.add.f32.msk $0xffff, v2  }
0x1a2: {  	v2 =	vld [tilespmem:s10+$0xCC00]  }
0x1a3: {  	v17 =	vld [tilespmem:s10+$0x10C50]  }
0x1a4: {  	v8 =	vld [tilespmem:s10+$0xCC60]  }
0x1a5: {  	v9 =	vld [tilespmem:s10+$0x10C60]  }
0x1a6: {  	v12 =	vld [tilespmem:s10+$0x14C00]  }
0x1a7: {  	v11 =	vld [tilespmem:s10+$0x14C10];
	v3 =	vadd.f32 v3, v2;
	v2 =	vadd.f32 v5, v4  }
0x1a8: {  	v4 =	vadd.f32 v7, v6;
	v5 =	vadd.f32 v13, v10;
	v10 =	vld [tilespmem:s10+$0x14C20]  }
0x1a9: {  	s0 =	simm.s32 $0x0;
	s1 =	simm.s32 $0x400;
	v6 =	vadd.f32 v15, v14;
	v7 =	vadd.f32 v17, v16;
	v13 =	vld [tilespmem:s10+$0x14C30]  }
.LBB2_7:
0x1aa: {  	s2 =	sand.u32 $0x1C00, s1;
	v14 =	vld [tilespmem:s10+$0x14C40];
	v8 =	vadd.f32 v9, v8;
	s6 =	sadd.s32 $0x10, s6  }
0x1ab: {  	s0 =	sadd.s32 $0x8, s0;
	s5 =	sor.u32 s2, s6;
	v3 =	vadd.f32 v12, v3;
	v9 =	vld [tilespmem:s10+$0x14C50]  }
0x1ac: {  	p0 =	slt.u32 s0, $0x1F8;
	s5 =	sor.u32 $0x70, s5;
	v2 =	vadd.f32 v11, v2;
	v11 =	vld [tilespmem:s10+$0x14C60]  }
0x1ad: {  	v12 =	vld [tilespmem:s5+$0xCC00];
	v4 =	vadd.f32 v10, v4  }
0x1ae: {  	v10 =	vld [tilespmem:s5+$0x10C00];
	v5 =	vadd.f32 v13, v5  }
0x1af: {  	[tilespmem:s10+$0x4C00] =	vst.add.f32.msk $0xffff, v3;
	v3 =	vadd.f32 v14, v6  }
0x1b0: {  	v6 =	vld [tilespmem:s5+$0x14C00];
	v7 =	vadd.f32 v9, v7  }
0x1b1: {  	[tilespmem:s10+$0x4C10] =	vst.add.f32.msk $0xffff, v2;
	v2 =	vadd.f32 v11, v8  }
0x1b2: {  	[tilespmem:s10+$0x4C20] =	vst.add.f32.msk $0xffff, v4  }
0x1b3: {  	v4 =	vadd.f32 v10, v12;
	[tilespmem:s10+$0x4C30] =	vst.add.f32.msk $0xffff, v5  }
0x1b4: {  	[tilespmem:s10+$0x4C40] =	vst.add.f32.msk $0xffff, v3  }
0x1b5: {  	s5 =	sand.u32 $0x380, s6;
	v3 =	vadd.f32 v6, v4;
	[tilespmem:s10+$0x4C50] =	vst.add.f32.msk $0xffff, v7  }
0x1b6: {  	[tilespmem:s10+$0x4C60] =	vst.add.f32.msk $0xffff, v2;
	s10 =	sor.u32 s5, s2  }
0x1b7: {  	[tilespmem:s10+$0x4C70] =	vst.add.f32.msk $0xffff, v3  }
0x1b8: {  	v2 =	vld [tilespmem:s10+$0xCC00]  }
0x1b9: {  	v3 =	vld [tilespmem:s10+$0x10C00]  }
0x1ba: {  	v4 =	vld [tilespmem:s10+$0xCC10]  }
0x1bb: {  	v5 =	vld [tilespmem:s10+$0x10C10]  }
0x1bc: {  	v6 =	vld [tilespmem:s10+$0xCC20]  }
0x1bd: {  	v7 =	vld [tilespmem:s10+$0x10C20]  }
0x1be: {  	v3 =	vadd.f32 v3, v2;
	v8 =	vld [tilespmem:s10+$0xCC30]  }
0x1bf: {  	v9 =	vld [tilespmem:s10+$0x10C30]  }
0x1c0: {  	v2 =	vadd.f32 v5, v4;
	v10 =	vld [tilespmem:s10+$0xCC40]  }
0x1c1: {  	v11 =	vld [tilespmem:s10+$0x10C40]  }
0x1c2: {  	v4 =	vadd.f32 v7, v6;
	v7 =	vld [tilespmem:s10+$0xCC50]  }
0x1c3: {  	v13 =	vld [tilespmem:s10+$0x10C50]  }
0x1c4: {  	v5 =	vadd.f32 v9, v8;
	v8 =	vld [tilespmem:s10+$0xCC60]  }
.Ltmp2:
0x1c5: {  	v9 =	vld [tilespmem:s10+$0x10C60];
	(pc) =	sbr.rel @p0 .LBB2_7-.Ltmp2, $4  }
0x1c6: {  	v12 =	vld [tilespmem:s10+$0x14C00];
	v6 =	vadd.f32 v11, v10  }
0x1c7: {  	v11 =	vld [tilespmem:s10+$0x14C10]  }
0x1c8: {  	v10 =	vld [tilespmem:s10+$0x14C20];
	v7 =	vadd.f32 v13, v7  }
0x1c9: {  	s1 =	sadd.s32 $0x400, s1;
	v13 =	vld [tilespmem:s10+$0x14C30]  }
0x1ca: {  	v14 =	vld [tilespmem:s10+$0x14C40]  }
0x1cb: {  	v3 =	vadd.f32 v12, v3;
	v12 =	vld [tilespmem:s10+$0x14C50]  }
0x1cc: {  	v2 =	vadd.f32 v11, v2;
	v11 =	vld [tilespmem:s10+$0x14C60]  }
0x1cd: {  	v4 =	vadd.f32 v10, v4;
	[tilespmem:s10+$0x4C00] =	vst.add.f32.msk $0xffff, v3  }
0x1ce: {  	v3 =	vadd.f32 v13, v5;
	[tilespmem:s10+$0x4C10] =	vst.add.f32.msk $0xffff, v2  }
0x1cf: {  	v2 =	vadd.f32 v9, v8;
	v5 =	vadd.f32 v14, v6;
	[tilespmem:s10+$0x4C20] =	vst.add.f32.msk $0xffff, v4  }
0x1d0: {  	v4 =	vadd.f32 v12, v7;
	[tilespmem:s10+$0x4C30] =	vst.add.f32.msk $0xffff, v3  }
0x1d1: {  	v2 =	vadd.f32 v11, v2;
	[tilespmem:s10+$0x4C40] =	vst.add.f32.msk $0xffff, v5  }
0x1d2: {  	s0 =	rddreg [dreg:$0x5];
	[tilespmem:s10+$0x4C50] =	vst.add.f32.msk $0xffff, v4  }
0x1d3: {  	s1 =	simm.s32 $0x0;
	p0 =	seq.s32 s30, $0x1F;
	s0 =	sadd.s32 s0, s26;
	[tilespmem:s10+$0x4C60] =	vst.add.f32.msk $0xffff, v2  }
0x1d4: {  	[hbm4b:s0+s1] =	stream.linear.scatter [tilespmem:s11], [sflag:$0x8], $0x2000, $0x38;
	[tilespmem:$0x18C00] =	vst v63  }
0x1d5: {  	s0 =	sadd.s32 @!p0 $0x20, s29;
	s11 =	simm.s32 $0x6  }
0x1d6: {  	_ =	swait.ge [sflag:s11], $0x2000;
	s0 =	sadd.s32 @!p0 s8, s0  }
0x1d7: {  	s1 =	sshrl.u32 @!p0 s23, $0x3;
	[sflag:s11] =	ssyncset.done $0x0;
	s0 =	sshll.u32 @!p0 s0, $0x7  }
0x1d8: {  	s2 =	rddreg [dreg:$0x11];
	[sflag:s11] =	ssyncadd.s32 $0xFFFFE000;
	s0 =	sadd.s32 @!p0 s7, s0  }
0x1d9: {  	[spmem:s1], [sflag:s2] =	dma.local @!p0 [hbm:s0], $0x400  }
0x1da: {  	v2 =	vld.msk @!p0 [tilespmem:s29+$0x20], $0xff;
	_ =	sdelay $0x4  }
0x1db: {  	v3 =	vshll.u32 @!p0 v2, $0x3  }
0x1dc: {  	v4 =	vlaneseq.u32 @!p0;
	v2 =	vand.u32 @!p0 $0x7, v2;
	v3 =	vand.u32 @!p0 $0xFFFFFFC0, v3  }
0x1dd: {  	v2 =	vor.u32 @!p0 v2, v3;
	v3 =	vand.u32 @!p0 $0x7, v4;
	v4 =	vshrl.u32 @!p0 v4, $0x3  }
0x1de: {  	v2 =	vperm.xlane @!p0 v2, v3;
	v4 =	vmul.u32 @!p0 $0x8, v4;
	_ =	sdelay $0x1  }
0x1df: {  	v2 =	vadd.s32 @!p0 v4, v2;
	_ =	sdelay $0x3  }
0x1e0: {  	vm1 =	vmmov @!p0 $0xffff;
	s0 =	simm.s32 @!p0 $0x0;
	s1 =	simm.s32 @!p0 $0xCC00  }
0x1e1: {  	[tilespmem:s1], [sflag:$0x1] =	stream.indirect_vreg.gather @!p0 [hbm4b:s25+s0], $0x80, v2, vm1, $0xb8;
	[tilespmem:$0x18C00] =	vst v63  }
0x1e2: {  	s1 =	simm.s32 @!p0 $0xD400  }
0x1e3: {  	[tilespmem:s1], [sflag:$0x1] =	stream.indirect_vreg.gather @!p0 [hbm4b:s14+s0], $0x80, v2, vm1, $0xb8;
	[tilespmem:$0x18C00] =	vst v63  }
0x1e4: {  	s1 =	simm.s32 @!p0 $0xDC00  }
0x1e5: {  	[tilespmem:s1], [sflag:$0x1] =	stream.indirect_vreg.gather @!p0 [hbm4b:s15+s0], $0x80, v2, vm1, $0xb8;
	[tilespmem:$0x18C00] =	vst v63  }
0x1e6: {  	s1 =	simm.s32 @!p0 $0xE400  }
0x1e7: {  	[tilespmem:s1], [sflag:$0x1] =	stream.indirect_vreg.gather @!p0 [hbm4b:s16+s0], $0x80, v2, vm1, $0xb8;
	[tilespmem:$0x18C00] =	vst v63  }
0x1e8: {  	v2 =	vld.msk @!p0 [tilespmem:s29+$0x420], $0xff;
	_ =	sdelay $0x4  }
0x1e9: {  	v5 =	vshll.u32 @!p0 v2, $0x3  }
0x1ea: {  	v2 =	vand.u32 @!p0 $0x7, v2;
	v5 =	vand.u32 @!p0 $0xFFFFFFC0, v5  }
0x1eb: {  	v2 =	vor.u32 @!p0 v2, v5  }
0x1ec: {  	v2 =	vperm.xlane @!p0 v2, v3;
	_ =	sdelay $0x1  }
0x1ed: {  	v2 =	vadd.s32 @!p0 v4, v2;
	_ =	sdelay $0x3  }
0x1ee: {  	s2 =	rddreg [dreg:$0x3];
	s1 =	simm.s32 @!p0 $0x10C00  }
0x1ef: {  	[tilespmem:s1], [sflag:$0x1] =	stream.indirect_vreg.gather @!p0 [hbm4b:s2+s0], $0x80, v2, vm1, $0xb8;
	[tilespmem:$0x18C00] =	vst v63  }
0x1f0: {  	s1 =	simm.s32 @!p0 $0x11400  }
0x1f1: {  	[tilespmem:s1], [sflag:$0x1] =	stream.indirect_vreg.gather @!p0 [hbm4b:s17+s0], $0x80, v2, vm1, $0xb8;
	[tilespmem:$0x18C00] =	vst v63  }
0x1f2: {  	s1 =	simm.s32 @!p0 $0x11C00  }
0x1f3: {  	[tilespmem:s1], [sflag:$0x1] =	stream.indirect_vreg.gather @!p0 [hbm4b:s18+s0], $0x80, v2, vm1, $0xb8;
	[tilespmem:$0x18C00] =	vst v63  }
0x1f4: {  	s1 =	simm.s32 @!p0 $0x12400  }
0x1f5: {  	[tilespmem:s1], [sflag:$0x1] =	stream.indirect_vreg.gather @!p0 [hbm4b:s19+s0], $0x80, v2, vm1, $0xb8;
	[tilespmem:$0x18C00] =	vst v63  }
0x1f6: {  	v2 =	vld.msk @!p0 [tilespmem:s29+$0x820], $0xff;
	_ =	sdelay $0x4  }
0x1f7: {  	v5 =	vshll.u32 @!p0 v2, $0x3  }
0x1f8: {  	v2 =	vand.u32 @!p0 $0x7, v2;
	v5 =	vand.u32 @!p0 $0xFFFFFFC0, v5  }
0x1f9: {  	v2 =	vor.u32 @!p0 v2, v5  }
0x1fa: {  	v2 =	vperm.xlane @!p0 v2, v3;
	_ =	sdelay $0x1  }
0x1fb: {  	v2 =	vadd.s32 @!p0 v4, v2;
	_ =	sdelay $0x3  }
0x1fc: {  	s2 =	rddreg [dreg:$0x4];
	s1 =	simm.s32 @!p0 $0x14C00  }
0x1fd: {  	[tilespmem:s1], [sflag:$0x1] =	stream.indirect_vreg.gather @!p0 [hbm4b:s2+s0], $0x80, v2, vm1, $0xb8;
	[tilespmem:$0x18C00] =	vst v63  }
0x1fe: {  	s1 =	simm.s32 @!p0 $0x15400  }
0x1ff: {  	[tilespmem:s1], [sflag:$0x1] =	stream.indirect_vreg.gather @!p0 [hbm4b:s20+s0], $0x80, v2, vm1, $0xb8;
	[tilespmem:$0x18C00] =	vst v63  }
0x200: {  	s1 =	simm.s32 @!p0 $0x15C00  }
0x201: {  	[tilespmem:s1], [sflag:$0x1] =	stream.indirect_vreg.gather @!p0 [hbm4b:s21+s0], $0x80, v2, vm1, $0xb8;
	[tilespmem:$0x18C00] =	vst v63  }
0x202: {  	s1 =	simm.s32 @!p0 $0x16400  }
0x203: {  	[tilespmem:s1], [sflag:$0x1] =	stream.indirect_vreg.gather @!p0 [hbm4b:s22+s0], $0x80, v2, vm1, $0xb8;
	[tilespmem:$0x18C00] =	vst v63  }
0x204: {  	_ =	swait.ge [sflag:s28], $0x400  }
0x205: {  	[sflag:s28] =	ssyncset.done $0x0  }
0x206: {  	s11 =	simm.s32 $0x6C00;
	s12 =	rddreg [dreg:$0xc];
	[sflag:s28] =	ssyncadd.s32 $0xFFFFFC00  }
0x207: {  	[tilespmem:s11], [sflag:$0x5] =	stream.linear.gather [spmem:s12], $0x2000, $0x38;
	[tilespmem:$0x18C00] =	vst v63  }
0x208: {  	_ =	swait.ge [sflag:s4], $0x2000  }
0x209: {  	[sflag:s4] =	ssyncset.done $0x0  }
0x20a: {  	[sflag:s4] =	ssyncadd.s32 $0xFFFFE000  }
0x20b: {  	_ =	swait.ge [sflag:s4], $0x2000  }
0x20c: {  	[sflag:s4] =	ssyncset.done $0x0  }
0x20d: {  	[sflag:s4] =	ssyncadd.s32 $0xFFFFE000  }
0x20e: {  	_ =	swait.ge [sflag:s4], $0x2000  }
0x20f: {  	[sflag:s4] =	ssyncset.done $0x0  }
0x210: {  	s10 =	simm.s32 $0x0;
	[sflag:s4] =	ssyncadd.s32 $0xFFFFE000  }
0x211: {  	s13 =	sand.u32 $0x1C00, s10;
	_ =	swait.ge [sflag:s3], $0x2000  }
0x212: {  	s26 =	sor.u32 s13, s10;
	[sflag:s3] =	ssyncset.done $0x0  }
0x213: {  	s1 =	sor.u32 $0x2070, s26;
	[sflag:s3] =	ssyncadd.s32 $0xFFFFE000  }
0x214: {  	v2 =	vld [tilespmem:s1+$0xCC00]  }
0x215: {  	s29 =	sand.u32 $0x380, s10;
	v3 =	vld [tilespmem:s1+$0x10C00]  }
0x216: {  	s6 =	sor.u32 s29, s13;
	v4 =	vld [tilespmem:s1+$0x14C00]  }
0x217: {  	v5 =	vld [tilespmem:s6+$0x12C10]  }
0x218: {  	v6 =	vld [tilespmem:s6+$0xEC20]  }
0x219: {  	v7 =	vld [tilespmem:s6+$0x12C20]  }
0x21a: {  	v10 =	vld [tilespmem:s6+$0xEC30]  }
0x21b: {  	v13 =	vld [tilespmem:s6+$0x12C30]  }
0x21c: {  	v14 =	vld [tilespmem:s6+$0xEC40]  }
0x21d: {  	v15 =	vld [tilespmem:s6+$0x12C40];
	v2 =	vadd.f32 v3, v2  }
0x21e: {  	v16 =	vld [tilespmem:s6+$0xEC50]  }
0x21f: {  	v3 =	vld [tilespmem:s6+$0x12C00];
	v2 =	vadd.f32 v4, v2  }
0x220: {  	v4 =	vld [tilespmem:s6+$0xEC10]  }
0x221: {  	[tilespmem:s6+$0x6C70] =	vst.add.f32.msk $0xffff, v2  }
0x222: {  	v2 =	vld [tilespmem:s6+$0xEC00]  }
0x223: {  	v17 =	vld [tilespmem:s6+$0x12C50]  }
0x224: {  	v8 =	vld [tilespmem:s6+$0xEC60]  }
0x225: {  	v9 =	vld [tilespmem:s6+$0x12C60]  }
0x226: {  	v12 =	vld [tilespmem:s6+$0x16C00]  }
0x227: {  	v11 =	vld [tilespmem:s6+$0x16C10];
	v3 =	vadd.f32 v3, v2;
	v2 =	vadd.f32 v5, v4  }
0x228: {  	v4 =	vadd.f32 v7, v6;
	v5 =	vadd.f32 v13, v10;
	v10 =	vld [tilespmem:s6+$0x16C20]  }
0x229: {  	s0 =	simm.s32 $0x0;
	s1 =	simm.s32 $0x400;
	v6 =	vadd.f32 v15, v14;
	v7 =	vadd.f32 v17, v16;
	v13 =	vld [tilespmem:s6+$0x16C30]  }
.LBB2_9:
0x22a: {  	s2 =	sand.u32 $0x1C00, s1;
	v14 =	vld [tilespmem:s6+$0x16C40];
	v8 =	vadd.f32 v9, v8;
	s10 =	sadd.s32 $0x10, s10  }
0x22b: {  	s0 =	sadd.s32 $0x8, s0;
	s5 =	sor.u32 s2, s10;
	v3 =	vadd.f32 v12, v3;
	v9 =	vld [tilespmem:s6+$0x16C50]  }
0x22c: {  	p0 =	slt.u32 s0, $0x1F8;
	s5 =	sor.u32 $0x2070, s5;
	v2 =	vadd.f32 v11, v2;
	v11 =	vld [tilespmem:s6+$0x16C60]  }
0x22d: {  	v12 =	vld [tilespmem:s5+$0xCC00];
	v4 =	vadd.f32 v10, v4  }
0x22e: {  	v10 =	vld [tilespmem:s5+$0x10C00];
	v5 =	vadd.f32 v13, v5  }
0x22f: {  	[tilespmem:s6+$0x6C00] =	vst.add.f32.msk $0xffff, v3;
	v3 =	vadd.f32 v14, v6  }
0x230: {  	v6 =	vld [tilespmem:s5+$0x14C00];
	v7 =	vadd.f32 v9, v7  }
0x231: {  	[tilespmem:s6+$0x6C10] =	vst.add.f32.msk $0xffff, v2;
	v2 =	vadd.f32 v11, v8  }
0x232: {  	[tilespmem:s6+$0x6C20] =	vst.add.f32.msk $0xffff, v4  }
0x233: {  	v4 =	vadd.f32 v10, v12;
	[tilespmem:s6+$0x6C30] =	vst.add.f32.msk $0xffff, v5  }
0x234: {  	[tilespmem:s6+$0x6C40] =	vst.add.f32.msk $0xffff, v3  }
0x235: {  	s5 =	sand.u32 $0x380, s10;
	v3 =	vadd.f32 v6, v4;
	[tilespmem:s6+$0x6C50] =	vst.add.f32.msk $0xffff, v7  }
0x236: {  	[tilespmem:s6+$0x6C60] =	vst.add.f32.msk $0xffff, v2;
	s6 =	sor.u32 s5, s2  }
0x237: {  	[tilespmem:s6+$0x6C70] =	vst.add.f32.msk $0xffff, v3  }
0x238: {  	v2 =	vld [tilespmem:s6+$0xEC00]  }
0x239: {  	v3 =	vld [tilespmem:s6+$0x12C00]  }
0x23a: {  	v4 =	vld [tilespmem:s6+$0xEC10]  }
0x23b: {  	v5 =	vld [tilespmem:s6+$0x12C10]  }
0x23c: {  	v6 =	vld [tilespmem:s6+$0xEC20]  }
0x23d: {  	v7 =	vld [tilespmem:s6+$0x12C20]  }
0x23e: {  	v3 =	vadd.f32 v3, v2;
	v8 =	vld [tilespmem:s6+$0xEC30]  }
0x23f: {  	v9 =	vld [tilespmem:s6+$0x12C30]  }
0x240: {  	v2 =	vadd.f32 v5, v4;
	v10 =	vld [tilespmem:s6+$0xEC40]  }
0x241: {  	v11 =	vld [tilespmem:s6+$0x12C40]  }
0x242: {  	v4 =	vadd.f32 v7, v6;
	v7 =	vld [tilespmem:s6+$0xEC50]  }
0x243: {  	v13 =	vld [tilespmem:s6+$0x12C50]  }
0x244: {  	v5 =	vadd.f32 v9, v8;
	v8 =	vld [tilespmem:s6+$0xEC60]  }
.Ltmp3:
0x245: {  	v9 =	vld [tilespmem:s6+$0x12C60];
	(pc) =	sbr.rel @p0 .LBB2_9-.Ltmp3, $4  }
0x246: {  	v12 =	vld [tilespmem:s6+$0x16C00];
	v6 =	vadd.f32 v11, v10  }
0x247: {  	v11 =	vld [tilespmem:s6+$0x16C10]  }
0x248: {  	v10 =	vld [tilespmem:s6+$0x16C20];
	v7 =	vadd.f32 v13, v7  }
0x249: {  	s1 =	sadd.s32 $0x400, s1;
	v13 =	vld [tilespmem:s6+$0x16C30]  }
0x24a: {  	v14 =	vld [tilespmem:s6+$0x16C40]  }
0x24b: {  	v60 =	vld [tilespmem:s6+$0x16C50];
	v3 =	vadd.f32 v12, v3  }
0x24c: {  	v61 =	vld [tilespmem:s6+$0x16C60];
	v2 =	vadd.f32 v11, v2  }
0x24d: {  	v4 =	vadd.f32 v10, v4;
	[tilespmem:s6+$0x6C00] =	vst.add.f32.msk $0xffff, v3  }
0x24e: {  	s30 =	sadd.s32 $0x1, s30;
	v3 =	vadd.f32 v13, v5;
	[tilespmem:s6+$0x6C10] =	vst.add.f32.msk $0xffff, v2  }
0x24f: {  	p0 =	sne.s32 s30, $0x20;
	v2 =	vadd.f32 v9, v8;
	v62 =	vadd.f32 v14, v6;
	[tilespmem:s6+$0x6C20] =	vst.add.f32.msk $0xffff, v4  }
.Ltmp4:
0x250: {  	v63 =	vadd.f32 v60, v7;
	[tilespmem:s6+$0x6C30] =	vst.add.f32.msk $0xffff, v3;
	(pc) =	sbr.rel @p0 .LBB2_2-.Ltmp4, $4  }
0x251: {  	v2 =	vadd.f32 v61, v2;
	[tilespmem:s6+$0x6C40] =	vst.add.f32.msk $0xffff, v62  }
0x252: {  	s0 =	rddreg [dreg:$0x5];
	[tilespmem:s6+$0x6C50] =	vst.add.f32.msk $0xffff, v63  }
0x253: {  	s1 =	simm.s32 $0x0;
	s0 =	sadd.s32 s0, s9;
	[tilespmem:s6+$0x6C60] =	vst.add.f32.msk $0xffff, v2  }
0x254: {  	[hbm4b:s0+s1] =	stream.linear.scatter [tilespmem:s11], [sflag:$0x9], $0x2000, $0x38;
	[tilespmem:$0x18C00] =	vst v63  }
0x255: {  	s0 =	simm.s32 $0x7  }
0x256: {  	_ =	swait.ge [sflag:s0], $0x2000  }
0x257: {  	[sflag:s0] =	ssyncset.done $0x0  }
0x258: {  	s29 =	simm.s32 $0x8;
	[sflag:s0] =	ssyncadd.s32 $0xFFFFE000  }
0x259: {  	_ =	swait.ge [sflag:s29], $0x2000  }
0x25a: {  	[sflag:s29] =	ssyncset.done $0x0  }
0x25b: {  	s1 =	simm.s32 $0x9;
	[sflag:s29] =	ssyncadd.s32 $0xFFFFE000  }
0x25c: {  	_ =	swait.ge [sflag:s1], $0x2000  }
0x25d: {  	s2 =	rddreg [dreg:$0xf]  }
0x25e: {  	s30 =	rddreg [dreg:$0xe];
	s2 =	sadd.s32 $0x1, s2  }
0x25f: {  	p0 =	sne.s32 s2, s30  }
.Ltmp5:
0x260: {  	_ = 	snop;
	(pc) =	sbr.rel @p0 .LBB2_1-.Ltmp5, $3  }
0x261: {  	_ =	sdelay $0x1  }
0x262: {  	[sflag:s1] =	ssyncset.done $0x0  }
0x263: {  	[sflag:s1] =	ssyncadd.s32 $0xFFFFE000  }
0x264: {  	_ =	sfence.sel $0x180000  }
0x265: {  	[bflag:$0x0] =	sbarrier.arrive $0xFFFF  }
0x266: {  	_ =	strace $0x90000047  }
0x267: {  	s0 =	stileid.u32;
	[bflag:$0x2] =	sbarrier.arrive $0xFFFF  }
0x268: {  	p0 =	sne.s32 s0, $0x0;
	s0 =	rddreg [dreg:$0x7]  }
0x269: {  	s0 =	sadd.s32 @!p0 $0x100000, s0  }
0x26a: {  	[sflag:s0] =	ssyncadd.tile.s32 @!p0 $0x1;
	_ =	shalt  }
.Lfunc_end2:
_tile_overlayer_lowered:
.L_overlay_start_2:
0x26b: {  	(tag) =	ssettag $0x2  }
0x26c: {  	s0 =	rddreg [dreg:$0x0];
	s2 =	stileid.u32  }
0x26d: {  	s1 =	rddreg [dreg:$0x1];
	p0 =	sne.s32 s2, $0x0  }
0x26e: {  	s3 =	rddreg [dreg:$0x2];
	[bflag:$0x3] =	sbarrier.arrive $0xFFFF;
	s2 =	simm.s32 @!p0 $0x1C0A  }
0x26f: {  	[timem:s3], [sflag:s2] =	dma.local @!p0 [hbm:s0], s1  }
0x270: {  	s0 =	simm.s32 @!p0 $0xA  }
0x271: {  	_ =	swait.ge @!p0 [sflag:s0], s1  }
0x272: {  	s1 =	ssub.s32 @!p0 $0x0, s1;
	[sflag:s0] =	ssyncset.done @!p0 $0x0  }
0x273: {  	[sflag:s0] =	ssyncadd.s32 @!p0 s1  }
0x274: {  	[bflag:$0x3] =	sbarrier.arrive $0xFFFF  }
0x275: {  	_ =	shalt  }

</sc_bundles>
